<compile_context>
chip_gen: v7x
topology: tpu7x:2x2x1
jax: 0.10.2.dev20260603
libtpu: 0.0.44.dev20260713+nightly
codegen_flags: <defaults>
</compile_context>

<pallas_src>
import dataclasses

import jax
import jax.numpy as jnp
from jax import lax
from jax.experimental import pallas as pl
from jax.experimental.pallas import tpu as pltpu
from jax.experimental.pallas import tpu_sc as plsc

N = 10000
E = 320000
IN = 128
HID = 256
OUT = 128

NC = 2
NS = 16
NW = NC * NS
B = 40
C1 = E // NW // B
RPT = N // NS
RB = 2000
NBLK = N // RB
NBUF = 5

_MESH = dict(mesh=plsc.VectorSubcoreMesh(core_axis_name="c", subcore_axis_name="s"))
_f32 = jnp.float32

_NO_LAYOUT_CP = pltpu.CompilerParams()
if "needs_layout_passes" in pltpu.CompilerParams.__dataclass_fields__:
    _NO_LAYOUT_CP = dataclasses.replace(_NO_LAYOUT_CP, needs_layout_passes=False)



BD = 80
CD = E // NW // BD


def _deg_body(dst_hbm, out_hbm, idx_v, hist_v):
    c = lax.axis_index("c")
    s = lax.axis_index("s")
    w = c * NS + s
    pltpu.sync_copy(dst_hbm.at[w], idx_v)

    @pl.loop(0, N // 16)
    def _(i):
        hist_v[pl.ds(i * 16, 16)] = jnp.zeros((16,), _f32)

    ones = jnp.ones((16,), _f32)

    @pl.loop(0, CD)
    def _(j):
        for k in range(BD // 16):
            v = idx_v[j, pl.ds(k * 16, 16)]
            plsc.addupdate_scatter(hist_v, [v], ones)

    pltpu.sync_copy(hist_v, out_hbm.at[w])


def _deg_call(dst1):
    return pl.kernel(
        _deg_body,
        out_type=jax.ShapeDtypeStruct((NW, N), _f32),
        scratch_types=[
            pltpu.VMEM((CD, BD), jnp.int32),
            pltpu.VMEM((N,), _f32),
        ],
        compiler_params=_NO_LAYOUT_CP,
        **_MESH,
    )(dst1)


NSEG = 5
CSEG = C1 // NSEG
NGRP = CSEG // NBUF


def _agg_body(tab_hbm, sd_hbm, z_hbm, out_hbm, sdv, rows, acc_sh):
    c = lax.axis_index("c")
    s = lax.axis_index("s")
    w = c * NS + s
    srcv = sdv.at[0]
    dstv = sdv.at[1]
    pltpu.sync_copy(z_hbm, acc_sh.at[pl.ds(s * RPT, RPT)])
    plsc.subcore_barrier()

    def inner(gsem, ssem):
        def wait_gather(b, j):
            pltpu.make_async_copy(tab_hbm.at[srcv.at[j]], rows[b],
                                  gsem[b]).wait()

        def wait_scatter(b, j):
            pltpu.make_async_copy(rows[b], acc_sh.at[dstv.at[j]],
                                  ssem[b]).wait()

        @pl.loop(0, NSEG)
        def _(seg):
            pltpu.sync_copy(sd_hbm.at[w, seg], sdv)
            for b in range(NBUF):
                pltpu.async_copy(tab_hbm.at[srcv.at[b]], rows[b], gsem[b])

            @pl.loop(0, NGRP - 1)
            def _(g):
                j0 = g * NBUF
                for b in range(NBUF):
                    wait_gather(b, j0 + b)
                    pltpu.async_copy(rows[b], acc_sh.at[dstv.at[j0 + b]],
                                     ssem[b], add=True)
                for b in range(NBUF):
                    wait_scatter(b, j0 + b)
                    pltpu.async_copy(tab_hbm.at[srcv.at[j0 + NBUF + b]],
                                     rows[b], gsem[b])

            j0 = (NGRP - 1) * NBUF
            for b in range(NBUF):
                wait_gather(b, j0 + b)
                pltpu.async_copy(rows[b], acc_sh.at[dstv.at[j0 + b]],
                                 ssem[b], add=True)
            for b in range(NBUF):
                wait_scatter(b, j0 + b)

    pl.run_scoped(
        inner,
        gsem=[pltpu.SemaphoreType.DMA for _ in range(NBUF)],
        ssem=[pltpu.SemaphoreType.DMA for _ in range(NBUF)],
    )

    plsc.subcore_barrier()
    pltpu.sync_copy(acc_sh.at[pl.ds(s * RPT, RPT)], out_hbm.at[w])


_AGG_KERNEL = pl.kernel(
    _agg_body,
    out_type=jax.ShapeDtypeStruct((NW, RPT, IN), _f32),
    scratch_types=[
        pltpu.VMEM((2, CSEG, B), jnp.int32),
        [pltpu.VMEM((B, IN), _f32) for _ in range(NBUF)],
        pltpu.VMEM_SHARED((N, IN), _f32),
    ],
    **_MESH,
)


def _agg_call(tab, sd, z128):
    return _AGG_KERNEL(tab, sd, z128).reshape(NC * N, IN)



def _tc1_body(degt_ref, x_ref, dinv_ref, u_ref):
    deg = jnp.sum(degt_ref[...], axis=1, keepdims=True) + 1.0
    dinv = lax.rsqrt(deg)
    dinv_ref[...] = dinv
    u_ref[...] = x_ref[...] * dinv


def _tc1_call(degt, x):
    return pl.pallas_call(
        _tc1_body,
        grid=(NBLK,),
        in_specs=[
            pl.BlockSpec((RB, NW), lambda i: (i, 0)),
            pl.BlockSpec((RB, IN), lambda i: (i, 0)),
        ],
        out_specs=[
            pl.BlockSpec((RB, 1), lambda i: (i, 0)),
            pl.BlockSpec((RB, IN), lambda i: (i, 0)),
        ],
        out_shape=[
            jax.ShapeDtypeStruct((N, 1), _f32),
            jax.ShapeDtypeStruct((NC * N, IN), _f32),
        ],
    )(degt, x)


def _dot(a, b):
    return jnp.dot(a, b, preferred_element_type=_f32,
                   precision=lax.Precision.HIGHEST)


def _tc2_body(s1a_ref, s1b_ref, u_ref, dinv_ref, w1_ref, b1_ref, uh_ref):
    dinv = dinv_ref[...]
    aggx = dinv * (s1a_ref[...] + s1b_ref[...] + u_ref[...])
    h = jnp.maximum(_dot(aggx, w1_ref[...]) + b1_ref[...], 0.0)
    uh_ref[...] = h * dinv


def _tc2_call(s1, u, dinv, W1, b1r):
    return pl.pallas_call(
        _tc2_body,
        grid=(NC, NBLK),
        in_specs=[
            pl.BlockSpec((RB, IN), lambda c, i: (i, 0)),
            pl.BlockSpec((RB, IN), lambda c, i: (NBLK + i, 0)),
            pl.BlockSpec((RB, IN), lambda c, i: (i, 0)),
            pl.BlockSpec((RB, 1), lambda c, i: (i, 0)),
            pl.BlockSpec((IN, HID // NC), lambda c, i: (0, c)),
            pl.BlockSpec((1, HID // NC), lambda c, i: (0, c)),
        ],
        out_specs=pl.BlockSpec((RB, HID // NC), lambda c, i: (c * NBLK + i, 0)),
        out_shape=jax.ShapeDtypeStruct((NC * N, HID // NC), _f32),
    )(s1, s1, u, dinv, W1, b1r)


def _tc3_body(s2a0_ref, s2a1_ref, s2b0_ref, s2b1_ref, uha_ref, uhb_ref,
              dinv_ref, wmu_ref, bmu_ref, wls_ref, bls_ref, mu_ref, ls_ref):
    dinv = dinv_ref[...]
    a0 = dinv * (s2a0_ref[...] + s2a1_ref[...] + uha_ref[...])
    a1 = dinv * (s2b0_ref[...] + s2b1_ref[...] + uhb_ref[...])
    mu_ref[...] = (_dot(a0, wmu_ref[0:128, :]) + _dot(a1, wmu_ref[128:256, :])
                   + bmu_ref[...])
    ls_ref[...] = (_dot(a0, wls_ref[0:128, :]) + _dot(a1, wls_ref[128:256, :])
                   + bls_ref[...])


def _tc3_call(s2a, s2b, uh, dinv, Wmu, bmur, Wls, blsr):
    half = lambda off: pl.BlockSpec((RB, OUT), lambda i, off=off: (off + i, 0))
    return pl.pallas_call(
        _tc3_body,
        grid=(NBLK,),
        in_specs=[
            half(0), half(NBLK),
            half(0), half(NBLK),
            half(0), half(NBLK),
            pl.BlockSpec((RB, 1), lambda i: (i, 0)),
            pl.BlockSpec((HID, OUT), lambda i: (0, 0)),
            pl.BlockSpec((1, OUT), lambda i: (0, 0)),
            pl.BlockSpec((HID, OUT), lambda i: (0, 0)),
            pl.BlockSpec((1, OUT), lambda i: (0, 0)),
        ],
        out_specs=[
            pl.BlockSpec((RB, OUT), lambda i: (i, 0)),
            pl.BlockSpec((RB, OUT), lambda i: (i, 0)),
        ],
        out_shape=[
            jax.ShapeDtypeStruct((N, OUT), _f32),
            jax.ShapeDtypeStruct((N, OUT), _f32),
        ],
    )(s2a, s2a, s2b, s2b, uh, uh, dinv, Wmu, bmur, Wls, blsr)



@jax.jit
def _run(x, edge_index, W1, b1, Wmu, bmu, Wls, bls):
    ei = edge_index.astype(jnp.int32)
    src, dst = ei[0], ei[1]
    dst1 = dst.reshape(NW, CD, BD)
    src5 = src.reshape(NW, NSEG, CSEG, B)
    dst5 = dst.reshape(NW, NSEG, CSEG, B)
    sd_a = jnp.stack([src5, dst5], axis=2)
    sd_b = jnp.stack([src5 + N, dst5], axis=2)
    sd_stack = jnp.stack([sd_a, sd_a, sd_b])
    z128 = jnp.zeros((RPT, 128), _f32)
    b1r = b1.reshape(1, HID)

    degt = _deg_call(dst1).T
    dinv, u = _tc1_call(degt, x)

    n_iter = lax.optimization_barrier(jnp.int32(3))

    def cond_fn(st):
        return st[0] < n_iter

    def body_fn(st):
        i, tab, _, s_prev = st
        sd_i = lax.dynamic_index_in_dim(sd_stack, i, keepdims=False)
        s = _agg_call(tab, sd_i, z128)
        new_tab = lax.cond(
            i == 0,
            lambda: _tc2_call(s, u, dinv, W1, b1r),
            lambda: tab,
        )
        return (i + 1, new_tab, s_prev, s)

    _, uh, s2a, s2b = lax.while_loop(
        cond_fn, body_fn, (jnp.int32(0), u, u, u))

    mu, ls = _tc3_call(s2a, s2b, uh, dinv, Wmu, bmu.reshape(1, OUT),
                       Wls, bls.reshape(1, OUT))
    return (mu, ls)


def kernel(x, edge_index, W1, b1, Wmu, bmu, Wls, bls):
    return _run(x, edge_index, W1, b1, Wmu, bmu, Wls, bls)

# --- scband reference (transcript-rebuilt; emitter-appended) ---
"""Pipeline reference for scband-variational-gcnconv-encoder-55379308315092 (READ-ONLY COPY).

The authoritative reference and input builder live on the scoring server;
editing this copy changes nothing except your own understanding.
"""

import jax, jax.numpy as jnp
import numpy as np

N = 10000
E = 320000
IN = 128
OUT = 128
HID = 2 * OUT


def setup_inputs(seed: int = 0) -> dict:
    key = jax.random.key(seed)
    ks = jax.random.split(key, 8)
    x = jax.random.normal(ks[0], (N, IN), dtype=jnp.float32)
    edge_index = jax.random.randint(ks[1], (2, E), 0, N, dtype=jnp.int64)
    W1 = jax.random.normal(ks[2], (IN, HID), dtype=jnp.float32) * (1.0 / np.sqrt(IN))
    b1 = jnp.zeros((HID,), dtype=jnp.float32)
    Wmu = jax.random.normal(ks[3], (HID, OUT), dtype=jnp.float32) * (1.0 / np.sqrt(HID))
    bmu = jnp.zeros((OUT,), dtype=jnp.float32)
    Wls = jax.random.normal(ks[4], (HID, OUT), dtype=jnp.float32) * (1.0 / np.sqrt(HID))
    bls = jnp.zeros((OUT,), dtype=jnp.float32)
    return {"x": x, "edge_index": edge_index, "W1": W1, "b1": b1, "Wmu": Wmu, "bmu": bmu, "Wls": Wls, "bls": bls}


def gcn_conv(x, edge_index, W, b):
    # PyG GCNConv: add self-loops, symmetric normalization, linear transform, scatter-add aggregate
    src = edge_index[0]
    dst = edge_index[1]
    loop = jnp.arange(N, dtype=src.dtype)
    src2 = jnp.concatenate([src, loop])
    dst2 = jnp.concatenate([dst, loop])
    ew = jnp.ones((src2.shape[0],), dtype=x.dtype)
    deg = jnp.zeros((N,), dtype=x.dtype).at[dst2].add(ew)
    dinv = jnp.where(deg > 0, deg ** -0.5, 0.0)
    norm = dinv[src2] * ew * dinv[dst2]
    h = x @ W
    msg = h[src2] * norm[:, None]
    out = jax.ops.segment_sum(msg, dst2, num_segments=N)
    return out + b


def reference(x, edge_index, W1, b1, Wmu, bmu, Wls, bls):
    h = jax.nn.relu(gcn_conv(x, edge_index, W1, b1))
    mu = gcn_conv(h, edge_index, Wmu, bmu)
    logstd = gcn_conv(h, edge_index, Wls, bls)
    return (mu, logstd)

if __name__ == "__main__":
    import jax
    _d = setup_inputs()
    print(jax.jit(kernel)(*tuple(_d.values())))

</pallas_src>

<mosaic_0001>
#map = affine_map<(d0, d1) -> (0, 0, 0)>
#map1 = affine_map<(d0, d1) -> (0, 0)>
module attributes {stable_mosaic.version = 14 : i64} {
  func.func @_deg_body(%arg0: i32, %arg1: i32, %arg2: memref<32x125x80xi32, #tpu.memory_space<hbm>>, %arg3: memref<32x10000xf32, #tpu.memory_space<hbm>>, %arg4: memref<125x80xi32, #tpu.memory_space<vmem>>, %arg5: memref<10000xf32, #tpu.memory_space<vmem>>) attributes {dimension_semantics = [#tpu.dimension_semantics<core_parallel>, #tpu.dimension_semantics<subcore_parallel>], iteration_bounds = array<i64: 2, 16>, scalar_prefetch = 0 : i64, scratch_operands = 2 : i64, tpu.core_type = #tpu.core_type<sc_vector_subcore>, window_params = [{transform_indices = #map}, {transform_indices = #map1}]} {
    %mul3A = arith.constant 16 : i32
    %mul3A_0 = arith.muli %arg0, %mul3A : i32
    %add3A = arith.addi %mul3A_0, %arg1 : i32
    "tpu.region"() ({
      %run_scoped3A = tpu.sem_alloc : memref<!tpu.dma_semaphore, #tpu.memory_space<semaphore_mem>>
      %dma_start3A = arith.constant 0 : i32
      %dma_start3A_11 = arith.constant 0 : i32
      %dma_start3A_12 = tpu.memref_slice %arg2[%add3A, %dma_start3A, %dma_start3A_11] : memref<32x125x80xi32, #tpu.memory_space<hbm>> -> memref<1x125x80xi32, #tpu.memory_space<hbm>>
      %dma_start3A_13 = tpu.memref_squeeze %dma_start3A_12 : memref<1x125x80xi32, #tpu.memory_space<hbm>> -> memref<125x80xi32, #tpu.memory_space<hbm>>
      %dma_start3A_14 = arith.constant 0 : i32
      %dma_start3A_15 = arith.constant 0 : i32
      %dma_start3A_16 = tpu.memref_slice %arg2[%add3A, %dma_start3A_14, %dma_start3A_15] : memref<32x125x80xi32, #tpu.memory_space<hbm>> -> memref<1x125x80xi32, #tpu.memory_space<hbm>>
      %dma_start3A_17 = tpu.memref_squeeze %dma_start3A_16 : memref<1x125x80xi32, #tpu.memory_space<hbm>> -> memref<125x80xi32, #tpu.memory_space<hbm>>
      tpu.enqueue_dma source(%dma_start3A_17 : memref<125x80xi32, #tpu.memory_space<hbm>>) target(%arg4 : memref<125x80xi32, #tpu.memory_space<vmem>>) target_semaphore(%run_scoped3A : memref<!tpu.dma_semaphore, #tpu.memory_space<semaphore_mem>>)
      %dma_wait3A = arith.constant 0 : i32
      %dma_wait3A_18 = arith.constant 0 : i32
      %dma_wait3A_19 = tpu.memref_slice %arg2[%add3A, %dma_wait3A, %dma_wait3A_18] : memref<32x125x80xi32, #tpu.memory_space<hbm>> -> memref<1x125x80xi32, #tpu.memory_space<hbm>>
      %dma_wait3A_20 = tpu.memref_squeeze %dma_wait3A_19 : memref<1x125x80xi32, #tpu.memory_space<hbm>> -> memref<125x80xi32, #tpu.memory_space<hbm>>
      %dma_wait3A_21 = arith.constant 0 : i32
      %dma_wait3A_22 = arith.constant 0 : i32
      %dma_wait3A_23 = tpu.memref_slice %arg2[%add3A, %dma_wait3A_21, %dma_wait3A_22] : memref<32x125x80xi32, #tpu.memory_space<hbm>> -> memref<1x125x80xi32, #tpu.memory_space<hbm>>
      %dma_wait3A_24 = tpu.memref_squeeze %dma_wait3A_23 : memref<1x125x80xi32, #tpu.memory_space<hbm>> -> memref<125x80xi32, #tpu.memory_space<hbm>>
      tpu.wait_dma2 semaphore(%run_scoped3A : memref<!tpu.dma_semaphore, #tpu.memory_space<semaphore_mem>>) src(%dma_wait3A_24 : memref<125x80xi32, #tpu.memory_space<hbm>>) dst(%arg4 : memref<125x80xi32, #tpu.memory_space<vmem>>)
      tpu.yield
    }) : () -> ()
    %scan3A = arith.constant 0 : i32
    %scan3A_1 = arith.constant 625 : i32
    %scan3A_2 = arith.addi %scan3A, %scan3A_1 : i32
    %scan3A_3 = arith.constant 1 : i32
    scf.for %scan3A_11 = %scan3A to %scan3A_2 step %scan3A_3  : i32 {
      %mul3A_12 = arith.constant 1 : i32
      %mul3A_13 = arith.muli %scan3A_11, %mul3A_12 : i32
      %add3A_14 = arith.constant 0 : i32
      %add3A_15 = arith.addi %add3A_14, %mul3A_13 : i32
      %broadcast_in_dim3A_16 = arith.constant 0.000000e+00 : f32
      %broadcast_in_dim3A_17 = vector.broadcast %broadcast_in_dim3A_16 : f32 to vector<16xf32>
      %mul3A_18 = arith.constant 16 : i32
      %mul3A_19 = arith.muli %add3A_15, %mul3A_18 : i32
      %swap3A = arith.index_cast %mul3A_19 : i32 to index
      %swap3A_20 = tpu.vector_load %arg5[%swap3A] {strides = array<i32>} : memref<10000xf32, #tpu.memory_space<vmem>>, vector<16xf32>,
      tpu.vector_store %arg5[%swap3A], %broadcast_in_dim3A_17 {strides = array<i32>} : memref<10000xf32, #tpu.memory_space<vmem>>, vector<16xf32>,
    }
    %scan3A_4 = arith.constant 625 : i32
    %broadcast_in_dim3A = arith.constant 1.000000e+00 : f32
    %broadcast_in_dim3A_5 = vector.broadcast %broadcast_in_dim3A : f32 to vector<16xf32>
    %scan3A_6 = arith.constant 0 : i32
    %scan3A_7 = arith.constant 125 : i32
    %scan3A_8 = arith.addi %scan3A_6, %scan3A_7 : i32
    %scan3A_9 = arith.constant 1 : i32
    scf.for %scan3A_11 = %scan3A_6 to %scan3A_8 step %scan3A_9  : i32 {
      %mul3A_12 = arith.constant 1 : i32
      %mul3A_13 = arith.muli %scan3A_11, %mul3A_12 : i32
      %add3A_14 = arith.constant 0 : i32
      %add3A_15 = arith.addi %add3A_14, %mul3A_13 : i32
      %get3A = arith.index_cast %add3A_15 : i32 to index
      %get3A_16 = arith.constant 0 : index
      %get3A_17 = tpu.vector_load %arg4[%get3A, %get3A_16] {strides = array<i32>} : memref<125x80xi32, #tpu.memory_space<vmem>>, vector<16xi32>,
      tpu.vector_store_idx %arg5[%get3A_17], %broadcast_in_dim3A_5 {add = true} : memref<10000xf32, #tpu.memory_space<vmem>>[vector<16xi32>], vector<16xf32>,
      %get3A_18 = arith.index_cast %add3A_15 : i32 to index
      %get3A_19 = arith.constant 16 : index
      %get3A_20 = tpu.vector_load %arg4[%get3A_18, %get3A_19] {strides = array<i32>} : memref<125x80xi32, #tpu.memory_space<vmem>>, vector<16xi32>,
      tpu.vector_store_idx %arg5[%get3A_20], %broadcast_in_dim3A_5 {add = true} : memref<10000xf32, #tpu.memory_space<vmem>>[vector<16xi32>], vector<16xf32>,
      %get3A_21 = arith.index_cast %add3A_15 : i32 to index
      %get3A_22 = arith.constant 32 : index
      %get3A_23 = tpu.vector_load %arg4[%get3A_21, %get3A_22] {strides = array<i32>} : memref<125x80xi32, #tpu.memory_space<vmem>>, vector<16xi32>,
      tpu.vector_store_idx %arg5[%get3A_23], %broadcast_in_dim3A_5 {add = true} : memref<10000xf32, #tpu.memory_space<vmem>>[vector<16xi32>], vector<16xf32>,
      %get3A_24 = arith.index_cast %add3A_15 : i32 to index
      %get3A_25 = arith.constant 48 : index
      %get3A_26 = tpu.vector_load %arg4[%get3A_24, %get3A_25] {strides = array<i32>} : memref<125x80xi32, #tpu.memory_space<vmem>>, vector<16xi32>,
      tpu.vector_store_idx %arg5[%get3A_26], %broadcast_in_dim3A_5 {add = true} : memref<10000xf32, #tpu.memory_space<vmem>>[vector<16xi32>], vector<16xf32>,
      %get3A_27 = arith.index_cast %add3A_15 : i32 to index
      %get3A_28 = arith.constant 64 : index
      %get3A_29 = tpu.vector_load %arg4[%get3A_27, %get3A_28] {strides = array<i32>} : memref<125x80xi32, #tpu.memory_space<vmem>>, vector<16xi32>,
      tpu.vector_store_idx %arg5[%get3A_29], %broadcast_in_dim3A_5 {add = true} : memref<10000xf32, #tpu.memory_space<vmem>>[vector<16xi32>], vector<16xf32>,
    }
    %scan3A_10 = arith.constant 125 : i32
    "tpu.region"() ({
      %run_scoped3A = tpu.sem_alloc : memref<!tpu.dma_semaphore, #tpu.memory_space<semaphore_mem>>
      %dma_start3A = arith.constant 0 : i32
      %dma_start3A_11 = tpu.memref_slice %arg3[%add3A, %dma_start3A] : memref<32x10000xf32, #tpu.memory_space<hbm>> -> memref<1x10000xf32, #tpu.memory_space<hbm>>
      %dma_start3A_12 = tpu.memref_squeeze %dma_start3A_11 : memref<1x10000xf32, #tpu.memory_space<hbm>> -> memref<10000xf32, #tpu.memory_space<hbm>>
      %dma_start3A_13 = arith.constant 0 : i32
      %dma_start3A_14 = tpu.memref_slice %arg3[%add3A, %dma_start3A_13] : memref<32x10000xf32, #tpu.memory_space<hbm>> -> memref<1x10000xf32, #tpu.memory_space<hbm>>
      %dma_start3A_15 = tpu.memref_squeeze %dma_start3A_14 : memref<1x10000xf32, #tpu.memory_space<hbm>> -> memref<10000xf32, #tpu.memory_space<hbm>>
      tpu.enqueue_dma source(%arg5 : memref<10000xf32, #tpu.memory_space<vmem>>) target(%dma_start3A_15 : memref<10000xf32, #tpu.memory_space<hbm>>) target_semaphore(%run_scoped3A : memref<!tpu.dma_semaphore, #tpu.memory_space<semaphore_mem>>)
      %dma_wait3A = arith.constant 0 : i32
      %dma_wait3A_16 = tpu.memref_slice %arg3[%add3A, %dma_wait3A] : memref<32x10000xf32, #tpu.memory_space<hbm>> -> memref<1x10000xf32, #tpu.memory_space<hbm>>
      %dma_wait3A_17 = tpu.memref_squeeze %dma_wait3A_16 : memref<1x10000xf32, #tpu.memory_space<hbm>> -> memref<10000xf32, #tpu.memory_space<hbm>>
      %dma_wait3A_18 = arith.constant 0 : i32
      %dma_wait3A_19 = tpu.memref_slice %arg3[%add3A, %dma_wait3A_18] : memref<32x10000xf32, #tpu.memory_space<hbm>> -> memref<1x10000xf32, #tpu.memory_space<hbm>>
      %dma_wait3A_20 = tpu.memref_squeeze %dma_wait3A_19 : memref<1x10000xf32, #tpu.memory_space<hbm>> -> memref<10000xf32, #tpu.memory_space<hbm>>
      tpu.wait_dma2 semaphore(%run_scoped3A : memref<!tpu.dma_semaphore, #tpu.memory_space<semaphore_mem>>) src(%arg5 : memref<10000xf32, #tpu.memory_space<vmem>>) dst(%dma_wait3A_20 : memref<10000xf32, #tpu.memory_space<hbm>>)
      tpu.yield
    }) : () -> ()
    return
  }
}

#map = affine_map<(d0, d1) -> (0, 0)>
#map1 = affine_map<(d0, d1) -> (0, 0, 0, 0, 0)>
#map2 = affine_map<(d0, d1) -> (0, 0, 0)>
module attributes {stable_mosaic.version = 14 : i64} {
  func.func @_agg_body(%arg0: i32, %arg1: i32, %arg2: memref<20000x128xf32, #tpu.memory_space<hbm>>, %arg3: memref<32x5x2x50x40xi32, #tpu.memory_space<hbm>>, %arg4: memref<625x128xf32, #tpu.memory_space<hbm>>, %arg5: memref<32x625x128xf32, #tpu.memory_space<hbm>>, %arg6: memref<2x50x40xi32, #tpu.memory_space<vmem>>, %arg7: memref<40x128xf32, #tpu.memory_space<vmem>>, %arg8: memref<40x128xf32, #tpu.memory_space<vmem>>, %arg9: memref<40x128xf32, #tpu.memory_space<vmem>>, %arg10: memref<40x128xf32, #tpu.memory_space<vmem>>, %arg11: memref<40x128xf32, #tpu.memory_space<vmem>>, %arg12: memref<10000x128xf32, #tpu.memory_space<vmem_shared>>) attributes {dimension_semantics = [#tpu.dimension_semantics<core_parallel>, #tpu.dimension_semantics<subcore_parallel>], iteration_bounds = array<i64: 2, 16>, scalar_prefetch = 0 : i64, scratch_operands = 7 : i64, tpu.core_type = #tpu.core_type<sc_vector_subcore>, window_params = [{transform_indices = #map}, {transform_indices = #map1}, {transform_indices = #map}, {transform_indices = #map2}]} {
    %mul3A = arith.constant 16 : i32
    %mul3A_0 = arith.muli %arg0, %mul3A : i32
    %add3A = arith.addi %mul3A_0, %arg1 : i32
    %mul3A_1 = arith.constant 625 : i32
    %mul3A_2 = arith.muli %arg1, %mul3A_1 : i32
    "tpu.region"() ({
      %run_scoped3A_7 = tpu.sem_alloc : memref<!tpu.dma_semaphore, #tpu.memory_space<semaphore_mem>>
      %dma_start3A = arith.constant 0 : i32
      %dma_start3A_8 = tpu.memref_slice %arg12[%mul3A_2, %dma_start3A] : memref<10000x128xf32, #tpu.memory_space<vmem_shared>> -> memref<625x128xf32, #tpu.memory_space<vmem_shared>>
      tpu.enqueue_dma source(%arg4 : memref<625x128xf32, #tpu.memory_space<hbm>>) target(%dma_start3A_8 : memref<625x128xf32, #tpu.memory_space<vmem_shared>>) target_semaphore(%run_scoped3A_7 : memref<!tpu.dma_semaphore, #tpu.memory_space<semaphore_mem>>)
      %dma_wait3A = arith.constant 0 : i32
      %dma_wait3A_9 = tpu.memref_slice %arg12[%mul3A_2, %dma_wait3A] : memref<10000x128xf32, #tpu.memory_space<vmem_shared>> -> memref<625x128xf32, #tpu.memory_space<vmem_shared>>
      tpu.wait_dma2 semaphore(%run_scoped3A_7 : memref<!tpu.dma_semaphore, #tpu.memory_space<semaphore_mem>>) src(%arg4 : memref<625x128xf32, #tpu.memory_space<hbm>>) dst(%dma_wait3A_9 : memref<625x128xf32, #tpu.memory_space<vmem_shared>>)
      tpu.yield
    }) : () -> ()
    %barrier3A = arith.constant 0 : index
    tpu.barrier barrier_id(%barrier3A)
    %run_scoped3A = arith.constant 0 : i32
    %run_scoped3A_3 = arith.constant 1 : i32
    "tpu.region"() ({
      %run_scoped3A_7 = tpu.sem_alloc : memref<!tpu.dma_semaphore, #tpu.memory_space<semaphore_mem>>
      %run_scoped3A_8 = tpu.sem_alloc : memref<!tpu.dma_semaphore, #tpu.memory_space<semaphore_mem>>
      %run_scoped3A_9 = tpu.sem_alloc : memref<!tpu.dma_semaphore, #tpu.memory_space<semaphore_mem>>
      %run_scoped3A_10 = tpu.sem_alloc : memref<!tpu.dma_semaphore, #tpu.memory_space<semaphore_mem>>
      %run_scoped3A_11 = tpu.sem_alloc : memref<!tpu.dma_semaphore, #tpu.memory_space<semaphore_mem>>
      %run_scoped3A_12 = tpu.sem_alloc : memref<!tpu.dma_semaphore, #tpu.memory_space<semaphore_mem>>
      %run_scoped3A_13 = tpu.sem_alloc : memref<!tpu.dma_semaphore, #tpu.memory_space<semaphore_mem>>
      %run_scoped3A_14 = tpu.sem_alloc : memref<!tpu.dma_semaphore, #tpu.memory_space<semaphore_mem>>
      %run_scoped3A_15 = tpu.sem_alloc : memref<!tpu.dma_semaphore, #tpu.memory_space<semaphore_mem>>
      %run_scoped3A_16 = tpu.sem_alloc : memref<!tpu.dma_semaphore, #tpu.memory_space<semaphore_mem>>
      %scan3A = arith.constant 0 : i32
      %scan3A_17 = arith.constant 5 : i32
      %scan3A_18 = arith.addi %scan3A, %scan3A_17 : i32
      %scan3A_19 = arith.constant 1 : i32
      scf.for %scan3A_21 = %scan3A to %scan3A_18 step %scan3A_19  : i32 {
        %mul3A_22 = arith.constant 1 : i32
        %mul3A_23 = arith.muli %scan3A_21, %mul3A_22 : i32
        %add3A_24 = arith.constant 0 : i32
        %add3A_25 = arith.addi %add3A_24, %mul3A_23 : i32
        "tpu.region"() ({
          %run_scoped3A_249 = tpu.sem_alloc : memref<!tpu.dma_semaphore, #tpu.memory_space<semaphore_mem>>
          %dma_start3A_250 = arith.constant 0 : i32
          %dma_start3A_251 = arith.constant 0 : i32
          %dma_start3A_252 = arith.constant 0 : i32
          %dma_start3A_253 = tpu.memref_slice %arg3[%add3A, %add3A_25, %dma_start3A_250, %dma_start3A_251, %dma_start3A_252] : memref<32x5x2x50x40xi32, #tpu.memory_space<hbm>> -> memref<1x1x2x50x40xi32, #tpu.memory_space<hbm>>
          %dma_start3A_254 = tpu.memref_squeeze %dma_start3A_253 : memref<1x1x2x50x40xi32, #tpu.memory_space<hbm>> -> memref<2x50x40xi32, #tpu.memory_space<hbm>>
          %dma_start3A_255 = arith.constant 0 : i32
          %dma_start3A_256 = arith.constant 0 : i32
          %dma_start3A_257 = arith.constant 0 : i32
          %dma_start3A_258 = tpu.memref_slice %arg3[%add3A, %add3A_25, %dma_start3A_255, %dma_start3A_256, %dma_start3A_257] : memref<32x5x2x50x40xi32, #tpu.memory_space<hbm>> -> memref<1x1x2x50x40xi32, #tpu.memory_space<hbm>>
          %dma_start3A_259 = tpu.memref_squeeze %dma_start3A_258 : memref<1x1x2x50x40xi32, #tpu.memory_space<hbm>> -> memref<2x50x40xi32, #tpu.memory_space<hbm>>
          tpu.enqueue_dma source(%dma_start3A_259 : memref<2x50x40xi32, #tpu.memory_space<hbm>>) target(%arg6 : memref<2x50x40xi32, #tpu.memory_space<vmem>>) target_semaphore(%run_scoped3A_249 : memref<!tpu.dma_semaphore, #tpu.memory_space<semaphore_mem>>)
          %dma_wait3A_260 = arith.constant 0 : i32
          %dma_wait3A_261 = arith.constant 0 : i32
          %dma_wait3A_262 = arith.constant 0 : i32
          %dma_wait3A_263 = tpu.memref_slice %arg3[%add3A, %add3A_25, %dma_wait3A_260, %dma_wait3A_261, %dma_wait3A_262] : memref<32x5x2x50x40xi32, #tpu.memory_space<hbm>> -> memref<1x1x2x50x40xi32, #tpu.memory_space<hbm>>
          %dma_wait3A_264 = tpu.memref_squeeze %dma_wait3A_263 : memref<1x1x2x50x40xi32, #tpu.memory_space<hbm>> -> memref<2x50x40xi32, #tpu.memory_space<hbm>>
          %dma_wait3A_265 = arith.constant 0 : i32
          %dma_wait3A_266 = arith.constant 0 : i32
          %dma_wait3A_267 = arith.constant 0 : i32
          %dma_wait3A_268 = tpu.memref_slice %arg3[%add3A, %add3A_25, %dma_wait3A_265, %dma_wait3A_266, %dma_wait3A_267] : memref<32x5x2x50x40xi32, #tpu.memory_space<hbm>> -> memref<1x1x2x50x40xi32, #tpu.memory_space<hbm>>
          %dma_wait3A_269 = tpu.memref_squeeze %dma_wait3A_268 : memref<1x1x2x50x40xi32, #tpu.memory_space<hbm>> -> memref<2x50x40xi32, #tpu.memory_space<hbm>>
          tpu.wait_dma2 semaphore(%run_scoped3A_249 : memref<!tpu.dma_semaphore, #tpu.memory_space<semaphore_mem>>) src(%dma_wait3A_269 : memref<2x50x40xi32, #tpu.memory_space<hbm>>) dst(%arg6 : memref<2x50x40xi32, #tpu.memory_space<vmem>>)
          tpu.yield
        }) : () -> ()
        %dma_start3A = arith.constant 0 : i32
        %dma_start3A_26 = arith.constant 0 : i32
        %dma_start3A_27 = arith.constant 0 : i32
        %dma_start3A_28 = tpu.memref_slice %arg6[%run_scoped3A, %dma_start3A_26, %dma_start3A_27] : memref<2x50x40xi32, #tpu.memory_space<vmem>> -> memref<1x50x40xi32, #tpu.memory_space<vmem>>
        %dma_start3A_29 = tpu.memref_squeeze %dma_start3A_28 : memref<1x50x40xi32, #tpu.memory_space<vmem>> -> memref<50x40xi32, #tpu.memory_space<vmem>>
        %dma_start3A_30 = arith.constant 0 : i32
        %dma_start3A_31 = tpu.memref_slice %dma_start3A_29[%dma_start3A, %dma_start3A_30] : memref<50x40xi32, #tpu.memory_space<vmem>> -> memref<1x40xi32, #tpu.memory_space<vmem>>
        %dma_start3A_32 = tpu.memref_squeeze %dma_start3A_31 : memref<1x40xi32, #tpu.memory_space<vmem>> -> memref<40xi32, #tpu.memory_space<vmem>>
        %dma_start3A_33 = arith.constant 0 : i32
        %dma_start3A_34 = arith.constant 0 : i32
        %dma_start3A_35 = tpu.memref_slice %arg2[%dma_start3A_33, %dma_start3A_34] : memref<20000x128xf32, #tpu.memory_space<hbm>> -> memref<20000x128xf32, #tpu.memory_space<hbm>>
        tpu.enqueue_indirect_dma source(%dma_start3A_35 : memref<20000x128xf32, #tpu.memory_space<hbm>>) target(%arg7 : memref<40x128xf32, #tpu.memory_space<vmem>>) offsets(%dma_start3A_32 : memref<40xi32, #tpu.memory_space<vmem>>) semaphore(%run_scoped3A_7 : memref<!tpu.dma_semaphore, #tpu.memory_space<semaphore_mem>>)
        %dma_start3A_36 = arith.constant 1 : i32
        %dma_start3A_37 = arith.constant 0 : i32
        %dma_start3A_38 = arith.constant 0 : i32
        %dma_start3A_39 = tpu.memref_slice %arg6[%run_scoped3A, %dma_start3A_37, %dma_start3A_38] : memref<2x50x40xi32, #tpu.memory_space<vmem>> -> memref<1x50x40xi32, #tpu.memory_space<vmem>>
        %dma_start3A_40 = tpu.memref_squeeze %dma_start3A_39 : memref<1x50x40xi32, #tpu.memory_space<vmem>> -> memref<50x40xi32, #tpu.memory_space<vmem>>
        %dma_start3A_41 = arith.constant 0 : i32
        %dma_start3A_42 = tpu.memref_slice %dma_start3A_40[%dma_start3A_36, %dma_start3A_41] : memref<50x40xi32, #tpu.memory_space<vmem>> -> memref<1x40xi32, #tpu.memory_space<vmem>>
        %dma_start3A_43 = tpu.memref_squeeze %dma_start3A_42 : memref<1x40xi32, #tpu.memory_space<vmem>> -> memref<40xi32, #tpu.memory_space<vmem>>
        %dma_start3A_44 = arith.constant 0 : i32
        %dma_start3A_45 = arith.constant 0 : i32
        %dma_start3A_46 = tpu.memref_slice %arg2[%dma_start3A_44, %dma_start3A_45] : memref<20000x128xf32, #tpu.memory_space<hbm>> -> memref<20000x128xf32, #tpu.memory_space<hbm>>
        tpu.enqueue_indirect_dma source(%dma_start3A_46 : memref<20000x128xf32, #tpu.memory_space<hbm>>) target(%arg8 : memref<40x128xf32, #tpu.memory_space<vmem>>) offsets(%dma_start3A_43 : memref<40xi32, #tpu.memory_space<vmem>>) semaphore(%run_scoped3A_8 : memref<!tpu.dma_semaphore, #tpu.memory_space<semaphore_mem>>)
        %dma_start3A_47 = arith.constant 2 : i32
        %dma_start3A_48 = arith.constant 0 : i32
        %dma_start3A_49 = arith.constant 0 : i32
        %dma_start3A_50 = tpu.memref_slice %arg6[%run_scoped3A, %dma_start3A_48, %dma_start3A_49] : memref<2x50x40xi32, #tpu.memory_space<vmem>> -> memref<1x50x40xi32, #tpu.memory_space<vmem>>
        %dma_start3A_51 = tpu.memref_squeeze %dma_start3A_50 : memref<1x50x40xi32, #tpu.memory_space<vmem>> -> memref<50x40xi32, #tpu.memory_space<vmem>>
        %dma_start3A_52 = arith.constant 0 : i32
        %dma_start3A_53 = tpu.memref_slice %dma_start3A_51[%dma_start3A_47, %dma_start3A_52] : memref<50x40xi32, #tpu.memory_space<vmem>> -> memref<1x40xi32, #tpu.memory_space<vmem>>
        %dma_start3A_54 = tpu.memref_squeeze %dma_start3A_53 : memref<1x40xi32, #tpu.memory_space<vmem>> -> memref<40xi32, #tpu.memory_space<vmem>>
        %dma_start3A_55 = arith.constant 0 : i32
        %dma_start3A_56 = arith.constant 0 : i32
        %dma_start3A_57 = tpu.memref_slice %arg2[%dma_start3A_55, %dma_start3A_56] : memref<20000x128xf32, #tpu.memory_space<hbm>> -> memref<20000x128xf32, #tpu.memory_space<hbm>>
        tpu.enqueue_indirect_dma source(%dma_start3A_57 : memref<20000x128xf32, #tpu.memory_space<hbm>>) target(%arg9 : memref<40x128xf32, #tpu.memory_space<vmem>>) offsets(%dma_start3A_54 : memref<40xi32, #tpu.memory_space<vmem>>) semaphore(%run_scoped3A_9 : memref<!tpu.dma_semaphore, #tpu.memory_space<semaphore_mem>>)
        %dma_start3A_58 = arith.constant 3 : i32
        %dma_start3A_59 = arith.constant 0 : i32
        %dma_start3A_60 = arith.constant 0 : i32
        %dma_start3A_61 = tpu.memref_slice %arg6[%run_scoped3A, %dma_start3A_59, %dma_start3A_60] : memref<2x50x40xi32, #tpu.memory_space<vmem>> -> memref<1x50x40xi32, #tpu.memory_space<vmem>>
        %dma_start3A_62 = tpu.memref_squeeze %dma_start3A_61 : memref<1x50x40xi32, #tpu.memory_space<vmem>> -> memref<50x40xi32, #tpu.memory_space<vmem>>
        %dma_start3A_63 = arith.constant 0 : i32
        %dma_start3A_64 = tpu.memref_slice %dma_start3A_62[%dma_start3A_58, %dma_start3A_63] : memref<50x40xi32, #tpu.memory_space<vmem>> -> memref<1x40xi32, #tpu.memory_space<vmem>>
        %dma_start3A_65 = tpu.memref_squeeze %dma_start3A_64 : memref<1x40xi32, #tpu.memory_space<vmem>> -> memref<40xi32, #tpu.memory_space<vmem>>
        %dma_start3A_66 = arith.constant 0 : i32
        %dma_start3A_67 = arith.constant 0 : i32
        %dma_start3A_68 = tpu.memref_slice %arg2[%dma_start3A_66, %dma_start3A_67] : memref<20000x128xf32, #tpu.memory_space<hbm>> -> memref<20000x128xf32, #tpu.memory_space<hbm>>
        tpu.enqueue_indirect_dma source(%dma_start3A_68 : memref<20000x128xf32, #tpu.memory_space<hbm>>) target(%arg10 : memref<40x128xf32, #tpu.memory_space<vmem>>) offsets(%dma_start3A_65 : memref<40xi32, #tpu.memory_space<vmem>>) semaphore(%run_scoped3A_10 : memref<!tpu.dma_semaphore, #tpu.memory_space<semaphore_mem>>)
        %dma_start3A_69 = arith.constant 4 : i32
        %dma_start3A_70 = arith.constant 0 : i32
        %dma_start3A_71 = arith.constant 0 : i32
        %dma_start3A_72 = tpu.memref_slice %arg6[%run_scoped3A, %dma_start3A_70, %dma_start3A_71] : memref<2x50x40xi32, #tpu.memory_space<vmem>> -> memref<1x50x40xi32, #tpu.memory_space<vmem>>
        %dma_start3A_73 = tpu.memref_squeeze %dma_start3A_72 : memref<1x50x40xi32, #tpu.memory_space<vmem>> -> memref<50x40xi32, #tpu.memory_space<vmem>>
        %dma_start3A_74 = arith.constant 0 : i32
        %dma_start3A_75 = tpu.memref_slice %dma_start3A_73[%dma_start3A_69, %dma_start3A_74] : memref<50x40xi32, #tpu.memory_space<vmem>> -> memref<1x40xi32, #tpu.memory_space<vmem>>
        %dma_start3A_76 = tpu.memref_squeeze %dma_start3A_75 : memref<1x40xi32, #tpu.memory_space<vmem>> -> memref<40xi32, #tpu.memory_space<vmem>>
        %dma_start3A_77 = arith.constant 0 : i32
        %dma_start3A_78 = arith.constant 0 : i32
        %dma_start3A_79 = tpu.memref_slice %arg2[%dma_start3A_77, %dma_start3A_78] : memref<20000x128xf32, #tpu.memory_space<hbm>> -> memref<20000x128xf32, #tpu.memory_space<hbm>>
        tpu.enqueue_indirect_dma source(%dma_start3A_79 : memref<20000x128xf32, #tpu.memory_space<hbm>>) target(%arg11 : memref<40x128xf32, #tpu.memory_space<vmem>>) offsets(%dma_start3A_76 : memref<40xi32, #tpu.memory_space<vmem>>) semaphore(%run_scoped3A_11 : memref<!tpu.dma_semaphore, #tpu.memory_space<semaphore_mem>>)
        %scan3A_80 = arith.constant 0 : i32
        %scan3A_81 = arith.constant 9 : i32
        %scan3A_82 = arith.addi %scan3A_80, %scan3A_81 : i32
        %scan3A_83 = arith.constant 1 : i32
        scf.for %scan3A_249 = %scan3A_80 to %scan3A_82 step %scan3A_83  : i32 {
          %mul3A_250 = arith.constant 1 : i32
          %mul3A_251 = arith.muli %scan3A_249, %mul3A_250 : i32
          %add3A_252 = arith.constant 0 : i32
          %add3A_253 = arith.addi %add3A_252, %mul3A_251 : i32
          %mul3A_254 = arith.constant 5 : i32
          %mul3A_255 = arith.muli %add3A_253, %mul3A_254 : i32
          %add3A_256 = arith.constant 0 : i32
          %add3A_257 = arith.addi %mul3A_255, %add3A_256 : i32
          %dma_wait3A_258 = arith.constant 0 : i32
          %dma_wait3A_259 = arith.constant 0 : i32
          %dma_wait3A_260 = tpu.memref_slice %arg6[%run_scoped3A, %dma_wait3A_258, %dma_wait3A_259] : memref<2x50x40xi32, #tpu.memory_space<vmem>> -> memref<1x50x40xi32, #tpu.memory_space<vmem>>
          %dma_wait3A_261 = tpu.memref_squeeze %dma_wait3A_260 : memref<1x50x40xi32, #tpu.memory_space<vmem>> -> memref<50x40xi32, #tpu.memory_space<vmem>>
          %dma_wait3A_262 = arith.constant 0 : i32
          %dma_wait3A_263 = tpu.memref_slice %dma_wait3A_261[%add3A_257, %dma_wait3A_262] : memref<50x40xi32, #tpu.memory_space<vmem>> -> memref<1x40xi32, #tpu.memory_space<vmem>>
          %dma_wait3A_264 = tpu.memref_squeeze %dma_wait3A_263 : memref<1x40xi32, #tpu.memory_space<vmem>> -> memref<40xi32, #tpu.memory_space<vmem>>
          %dma_wait3A_265 = arith.constant 0 : i32
          %dma_wait3A_266 = arith.constant 0 : i32
          %dma_wait3A_267 = tpu.memref_slice %arg2[%dma_wait3A_265, %dma_wait3A_266] : memref<20000x128xf32, #tpu.memory_space<hbm>> -> memref<20000x128xf32, #tpu.memory_space<hbm>>
          tpu.wait_indirect_dma semaphore(%run_scoped3A_7 : memref<!tpu.dma_semaphore, #tpu.memory_space<semaphore_mem>>) src(%dma_wait3A_267 : memref<20000x128xf32, #tpu.memory_space<hbm>>) dst(%arg7 : memref<40x128xf32, #tpu.memory_space<vmem>>)
          %add3A_268 = arith.constant 0 : i32
          %add3A_269 = arith.addi %mul3A_255, %add3A_268 : i32
          %dma_start3A_270 = arith.constant 0 : i32
          %dma_start3A_271 = arith.constant 0 : i32
          %dma_start3A_272 = tpu.memref_slice %arg6[%run_scoped3A_3, %dma_start3A_270, %dma_start3A_271] : memref<2x50x40xi32, #tpu.memory_space<vmem>> -> memref<1x50x40xi32, #tpu.memory_space<vmem>>
          %dma_start3A_273 = tpu.memref_squeeze %dma_start3A_272 : memref<1x50x40xi32, #tpu.memory_space<vmem>> -> memref<50x40xi32, #tpu.memory_space<vmem>>
          %dma_start3A_274 = arith.constant 0 : i32
          %dma_start3A_275 = tpu.memref_slice %dma_start3A_273[%add3A_269, %dma_start3A_274] : memref<50x40xi32, #tpu.memory_space<vmem>> -> memref<1x40xi32, #tpu.memory_space<vmem>>
          %dma_start3A_276 = tpu.memref_squeeze %dma_start3A_275 : memref<1x40xi32, #tpu.memory_space<vmem>> -> memref<40xi32, #tpu.memory_space<vmem>>
          %dma_start3A_277 = arith.constant 0 : i32
          %dma_start3A_278 = arith.constant 0 : i32
          %dma_start3A_279 = tpu.memref_slice %arg12[%dma_start3A_277, %dma_start3A_278] : memref<10000x128xf32, #tpu.memory_space<vmem_shared>> -> memref<10000x128xf32, #tpu.memory_space<vmem_shared>>
          tpu.enqueue_indirect_dma source(%arg7 : memref<40x128xf32, #tpu.memory_space<vmem>>) target(%dma_start3A_279 : memref<10000x128xf32, #tpu.memory_space<vmem_shared>>) offsets(%dma_start3A_276 : memref<40xi32, #tpu.memory_space<vmem>>) semaphore(%run_scoped3A_12 : memref<!tpu.dma_semaphore, #tpu.memory_space<semaphore_mem>>) {add = true}
          %add3A_280 = arith.constant 1 : i32
          %add3A_281 = arith.addi %mul3A_255, %add3A_280 : i32
          %dma_wait3A_282 = arith.constant 0 : i32
          %dma_wait3A_283 = arith.constant 0 : i32
          %dma_wait3A_284 = tpu.memref_slice %arg6[%run_scoped3A, %dma_wait3A_282, %dma_wait3A_283] : memref<2x50x40xi32, #tpu.memory_space<vmem>> -> memref<1x50x40xi32, #tpu.memory_space<vmem>>
          %dma_wait3A_285 = tpu.memref_squeeze %dma_wait3A_284 : memref<1x50x40xi32, #tpu.memory_space<vmem>> -> memref<50x40xi32, #tpu.memory_space<vmem>>
          %dma_wait3A_286 = arith.constant 0 : i32
          %dma_wait3A_287 = tpu.memref_slice %dma_wait3A_285[%add3A_281, %dma_wait3A_286] : memref<50x40xi32, #tpu.memory_space<vmem>> -> memref<1x40xi32, #tpu.memory_space<vmem>>
          %dma_wait3A_288 = tpu.memref_squeeze %dma_wait3A_287 : memref<1x40xi32, #tpu.memory_space<vmem>> -> memref<40xi32, #tpu.memory_space<vmem>>
          %dma_wait3A_289 = arith.constant 0 : i32
          %dma_wait3A_290 = arith.constant 0 : i32
          %dma_wait3A_291 = tpu.memref_slice %arg2[%dma_wait3A_289, %dma_wait3A_290] : memref<20000x128xf32, #tpu.memory_space<hbm>> -> memref<20000x128xf32, #tpu.memory_space<hbm>>
          tpu.wait_indirect_dma semaphore(%run_scoped3A_8 : memref<!tpu.dma_semaphore, #tpu.memory_space<semaphore_mem>>) src(%dma_wait3A_291 : memref<20000x128xf32, #tpu.memory_space<hbm>>) dst(%arg8 : memref<40x128xf32, #tpu.memory_space<vmem>>)
          %add3A_292 = arith.constant 1 : i32
          %add3A_293 = arith.addi %mul3A_255, %add3A_292 : i32
          %dma_start3A_294 = arith.constant 0 : i32
          %dma_start3A_295 = arith.constant 0 : i32
          %dma_start3A_296 = tpu.memref_slice %arg6[%run_scoped3A_3, %dma_start3A_294, %dma_start3A_295] : memref<2x50x40xi32, #tpu.memory_space<vmem>> -> memref<1x50x40xi32, #tpu.memory_space<vmem>>
          %dma_start3A_297 = tpu.memref_squeeze %dma_start3A_296 : memref<1x50x40xi32, #tpu.memory_space<vmem>> -> memref<50x40xi32, #tpu.memory_space<vmem>>
          %dma_start3A_298 = arith.constant 0 : i32
          %dma_start3A_299 = tpu.memref_slice %dma_start3A_297[%add3A_293, %dma_start3A_298] : memref<50x40xi32, #tpu.memory_space<vmem>> -> memref<1x40xi32, #tpu.memory_space<vmem>>
          %dma_start3A_300 = tpu.memref_squeeze %dma_start3A_299 : memref<1x40xi32, #tpu.memory_space<vmem>> -> memref<40xi32, #tpu.memory_space<vmem>>
          %dma_start3A_301 = arith.constant 0 : i32
          %dma_start3A_302 = arith.constant 0 : i32
          %dma_start3A_303 = tpu.memref_slice %arg12[%dma_start3A_301, %dma_start3A_302] : memref<10000x128xf32, #tpu.memory_space<vmem_shared>> -> memref<10000x128xf32, #tpu.memory_space<vmem_shared>>
          tpu.enqueue_indirect_dma source(%arg8 : memref<40x128xf32, #tpu.memory_space<vmem>>) target(%dma_start3A_303 : memref<10000x128xf32, #tpu.memory_space<vmem_shared>>) offsets(%dma_start3A_300 : memref<40xi32, #tpu.memory_space<vmem>>) semaphore(%run_scoped3A_13 : memref<!tpu.dma_semaphore, #tpu.memory_space<semaphore_mem>>) {add = true}
          %add3A_304 = arith.constant 2 : i32
          %add3A_305 = arith.addi %mul3A_255, %add3A_304 : i32
          %dma_wait3A_306 = arith.constant 0 : i32
          %dma_wait3A_307 = arith.constant 0 : i32
          %dma_wait3A_308 = tpu.memref_slice %arg6[%run_scoped3A, %dma_wait3A_306, %dma_wait3A_307] : memref<2x50x40xi32, #tpu.memory_space<vmem>> -> memref<1x50x40xi32, #tpu.memory_space<vmem>>
          %dma_wait3A_309 = tpu.memref_squeeze %dma_wait3A_308 : memref<1x50x40xi32, #tpu.memory_space<vmem>> -> memref<50x40xi32, #tpu.memory_space<vmem>>
          %dma_wait3A_310 = arith.constant 0 : i32
          %dma_wait3A_311 = tpu.memref_slice %dma_wait3A_309[%add3A_305, %dma_wait3A_310] : memref<50x40xi32, #tpu.memory_space<vmem>> -> memref<1x40xi32, #tpu.memory_space<vmem>>
          %dma_wait3A_312 = tpu.memref_squeeze %dma_wait3A_311 : memref<1x40xi32, #tpu.memory_space<vmem>> -> memref<40xi32, #tpu.memory_space<vmem>>
          %dma_wait3A_313 = arith.constant 0 : i32
          %dma_wait3A_314 = arith.constant 0 : i32
          %dma_wait3A_315 = tpu.memref_slice %arg2[%dma_wait3A_313, %dma_wait3A_314] : memref<20000x128xf32, #tpu.memory_space<hbm>> -> memref<20000x128xf32, #tpu.memory_space<hbm>>
          tpu.wait_indirect_dma semaphore(%run_scoped3A_9 : memref<!tpu.dma_semaphore, #tpu.memory_space<semaphore_mem>>) src(%dma_wait3A_315 : memref<20000x128xf32, #tpu.memory_space<hbm>>) dst(%arg9 : memref<40x128xf32, #tpu.memory_space<vmem>>)
          %add3A_316 = arith.constant 2 : i32
          %add3A_317 = arith.addi %mul3A_255, %add3A_316 : i32
          %dma_start3A_318 = arith.constant 0 : i32
          %dma_start3A_319 = arith.constant 0 : i32
          %dma_start3A_320 = tpu.memref_slice %arg6[%run_scoped3A_3, %dma_start3A_318, %dma_start3A_319] : memref<2x50x40xi32, #tpu.memory_space<vmem>> -> memref<1x50x40xi32, #tpu.memory_space<vmem>>
          %dma_start3A_321 = tpu.memref_squeeze %dma_start3A_320 : memref<1x50x40xi32, #tpu.memory_space<vmem>> -> memref<50x40xi32, #tpu.memory_space<vmem>>
          %dma_start3A_322 = arith.constant 0 : i32
          %dma_start3A_323 = tpu.memref_slice %dma_start3A_321[%add3A_317, %dma_start3A_322] : memref<50x40xi32, #tpu.memory_space<vmem>> -> memref<1x40xi32, #tpu.memory_space<vmem>>
          %dma_start3A_324 = tpu.memref_squeeze %dma_start3A_323 : memref<1x40xi32, #tpu.memory_space<vmem>> -> memref<40xi32, #tpu.memory_space<vmem>>
          %dma_start3A_325 = arith.constant 0 : i32
          %dma_start3A_326 = arith.constant 0 : i32
          %dma_start3A_327 = tpu.memref_slice %arg12[%dma_start3A_325, %dma_start3A_326] : memref<10000x128xf32, #tpu.memory_space<vmem_shared>> -> memref<10000x128xf32, #tpu.memory_space<vmem_shared>>
          tpu.enqueue_indirect_dma source(%arg9 : memref<40x128xf32, #tpu.memory_space<vmem>>) target(%dma_start3A_327 : memref<10000x128xf32, #tpu.memory_space<vmem_shared>>) offsets(%dma_start3A_324 : memref<40xi32, #tpu.memory_space<vmem>>) semaphore(%run_scoped3A_14 : memref<!tpu.dma_semaphore, #tpu.memory_space<semaphore_mem>>) {add = true}
          %add3A_328 = arith.constant 3 : i32
          %add3A_329 = arith.addi %mul3A_255, %add3A_328 : i32
          %dma_wait3A_330 = arith.constant 0 : i32
          %dma_wait3A_331 = arith.constant 0 : i32
          %dma_wait3A_332 = tpu.memref_slice %arg6[%run_scoped3A, %dma_wait3A_330, %dma_wait3A_331] : memref<2x50x40xi32, #tpu.memory_space<vmem>> -> memref<1x50x40xi32, #tpu.memory_space<vmem>>
          %dma_wait3A_333 = tpu.memref_squeeze %dma_wait3A_332 : memref<1x50x40xi32, #tpu.memory_space<vmem>> -> memref<50x40xi32, #tpu.memory_space<vmem>>
          %dma_wait3A_334 = arith.constant 0 : i32
          %dma_wait3A_335 = tpu.memref_slice %dma_wait3A_333[%add3A_329, %dma_wait3A_334] : memref<50x40xi32, #tpu.memory_space<vmem>> -> memref<1x40xi32, #tpu.memory_space<vmem>>
          %dma_wait3A_336 = tpu.memref_squeeze %dma_wait3A_335 : memref<1x40xi32, #tpu.memory_space<vmem>> -> memref<40xi32, #tpu.memory_space<vmem>>
          %dma_wait3A_337 = arith.constant 0 : i32
          %dma_wait3A_338 = arith.constant 0 : i32
          %dma_wait3A_339 = tpu.memref_slice %arg2[%dma_wait3A_337, %dma_wait3A_338] : memref<20000x128xf32, #tpu.memory_space<hbm>> -> memref<20000x128xf32, #tpu.memory_space<hbm>>
          tpu.wait_indirect_dma semaphore(%run_scoped3A_10 : memref<!tpu.dma_semaphore, #tpu.memory_space<semaphore_mem>>) src(%dma_wait3A_339 : memref<20000x128xf32, #tpu.memory_space<hbm>>) dst(%arg10 : memref<40x128xf32, #tpu.memory_space<vmem>>)
          %add3A_340 = arith.constant 3 : i32
          %add3A_341 = arith.addi %mul3A_255, %add3A_340 : i32
          %dma_start3A_342 = arith.constant 0 : i32
          %dma_start3A_343 = arith.constant 0 : i32
          %dma_start3A_344 = tpu.memref_slice %arg6[%run_scoped3A_3, %dma_start3A_342, %dma_start3A_343] : memref<2x50x40xi32, #tpu.memory_space<vmem>> -> memref<1x50x40xi32, #tpu.memory_space<vmem>>
          %dma_start3A_345 = tpu.memref_squeeze %dma_start3A_344 : memref<1x50x40xi32, #tpu.memory_space<vmem>> -> memref<50x40xi32, #tpu.memory_space<vmem>>
          %dma_start3A_346 = arith.constant 0 : i32
          %dma_start3A_347 = tpu.memref_slice %dma_start3A_345[%add3A_341, %dma_start3A_346] : memref<50x40xi32, #tpu.memory_space<vmem>> -> memref<1x40xi32, #tpu.memory_space<vmem>>
          %dma_start3A_348 = tpu.memref_squeeze %dma_start3A_347 : memref<1x40xi32, #tpu.memory_space<vmem>> -> memref<40xi32, #tpu.memory_space<vmem>>
          %dma_start3A_349 = arith.constant 0 : i32
          %dma_start3A_350 = arith.constant 0 : i32
          %dma_start3A_351 = tpu.memref_slice %arg12[%dma_start3A_349, %dma_start3A_350] : memref<10000x128xf32, #tpu.memory_space<vmem_shared>> -> memref<10000x128xf32, #tpu.memory_space<vmem_shared>>
          tpu.enqueue_indirect_dma source(%arg10 : memref<40x128xf32, #tpu.memory_space<vmem>>) target(%dma_start3A_351 : memref<10000x128xf32, #tpu.memory_space<vmem_shared>>) offsets(%dma_start3A_348 : memref<40xi32, #tpu.memory_space<vmem>>) semaphore(%run_scoped3A_15 : memref<!tpu.dma_semaphore, #tpu.memory_space<semaphore_mem>>) {add = true}
          %add3A_352 = arith.constant 4 : i32
          %add3A_353 = arith.addi %mul3A_255, %add3A_352 : i32
          %dma_wait3A_354 = arith.constant 0 : i32
          %dma_wait3A_355 = arith.constant 0 : i32
          %dma_wait3A_356 = tpu.memref_slice %arg6[%run_scoped3A, %dma_wait3A_354, %dma_wait3A_355] : memref<2x50x40xi32, #tpu.memory_space<vmem>> -> memref<1x50x40xi32, #tpu.memory_space<vmem>>
          %dma_wait3A_357 = tpu.memref_squeeze %dma_wait3A_356 : memref<1x50x40xi32, #tpu.memory_space<vmem>> -> memref<50x40xi32, #tpu.memory_space<vmem>>
          %dma_wait3A_358 = arith.constant 0 : i32
          %dma_wait3A_359 = tpu.memref_slice %dma_wait3A_357[%add3A_353, %dma_wait3A_358] : memref<50x40xi32, #tpu.memory_space<vmem>> -> memref<1x40xi32, #tpu.memory_space<vmem>>
          %dma_wait3A_360 = tpu.memref_squeeze %dma_wait3A_359 : memref<1x40xi32, #tpu.memory_space<vmem>> -> memref<40xi32, #tpu.memory_space<vmem>>
          %dma_wait3A_361 = arith.constant 0 : i32
          %dma_wait3A_362 = arith.constant 0 : i32
          %dma_wait3A_363 = tpu.memref_slice %arg2[%dma_wait3A_361, %dma_wait3A_362] : memref<20000x128xf32, #tpu.memory_space<hbm>> -> memref<20000x128xf32, #tpu.memory_space<hbm>>
          tpu.wait_indirect_dma semaphore(%run_scoped3A_11 : memref<!tpu.dma_semaphore, #tpu.memory_space<semaphore_mem>>) src(%dma_wait3A_363 : memref<20000x128xf32, #tpu.memory_space<hbm>>) dst(%arg11 : memref<40x128xf32, #tpu.memory_space<vmem>>)
          %add3A_364 = arith.constant 4 : i32
          %add3A_365 = arith.addi %mul3A_255, %add3A_364 : i32
          %dma_start3A_366 = arith.constant 0 : i32
          %dma_start3A_367 = arith.constant 0 : i32
          %dma_start3A_368 = tpu.memref_slice %arg6[%run_scoped3A_3, %dma_start3A_366, %dma_start3A_367] : memref<2x50x40xi32, #tpu.memory_space<vmem>> -> memref<1x50x40xi32, #tpu.memory_space<vmem>>
          %dma_start3A_369 = tpu.memref_squeeze %dma_start3A_368 : memref<1x50x40xi32, #tpu.memory_space<vmem>> -> memref<50x40xi32, #tpu.memory_space<vmem>>
          %dma_start3A_370 = arith.constant 0 : i32
          %dma_start3A_371 = tpu.memref_slice %dma_start3A_369[%add3A_365, %dma_start3A_370] : memref<50x40xi32, #tpu.memory_space<vmem>> -> memref<1x40xi32, #tpu.memory_space<vmem>>
          %dma_start3A_372 = tpu.memref_squeeze %dma_start3A_371 : memref<1x40xi32, #tpu.memory_space<vmem>> -> memref<40xi32, #tpu.memory_space<vmem>>
          %dma_start3A_373 = arith.constant 0 : i32
          %dma_start3A_374 = arith.constant 0 : i32
          %dma_start3A_375 = tpu.memref_slice %arg12[%dma_start3A_373, %dma_start3A_374] : memref<10000x128xf32, #tpu.memory_space<vmem_shared>> -> memref<10000x128xf32, #tpu.memory_space<vmem_shared>>
          tpu.enqueue_indirect_dma source(%arg11 : memref<40x128xf32, #tpu.memory_space<vmem>>) target(%dma_start3A_375 : memref<10000x128xf32, #tpu.memory_space<vmem_shared>>) offsets(%dma_start3A_372 : memref<40xi32, #tpu.memory_space<vmem>>) semaphore(%run_scoped3A_16 : memref<!tpu.dma_semaphore, #tpu.memory_space<semaphore_mem>>) {add = true}
          %add3A_376 = arith.constant 0 : i32
          %add3A_377 = arith.addi %mul3A_255, %add3A_376 : i32
          %dma_wait3A_378 = arith.constant 0 : i32
          %dma_wait3A_379 = arith.constant 0 : i32
          %dma_wait3A_380 = tpu.memref_slice %arg6[%run_scoped3A_3, %dma_wait3A_378, %dma_wait3A_379] : memref<2x50x40xi32, #tpu.memory_space<vmem>> -> memref<1x50x40xi32, #tpu.memory_space<vmem>>
          %dma_wait3A_381 = tpu.memref_squeeze %dma_wait3A_380 : memref<1x50x40xi32, #tpu.memory_space<vmem>> -> memref<50x40xi32, #tpu.memory_space<vmem>>
          %dma_wait3A_382 = arith.constant 0 : i32
          %dma_wait3A_383 = tpu.memref_slice %dma_wait3A_381[%add3A_377, %dma_wait3A_382] : memref<50x40xi32, #tpu.memory_space<vmem>> -> memref<1x40xi32, #tpu.memory_space<vmem>>
          %dma_wait3A_384 = tpu.memref_squeeze %dma_wait3A_383 : memref<1x40xi32, #tpu.memory_space<vmem>> -> memref<40xi32, #tpu.memory_space<vmem>>
          %dma_wait3A_385 = arith.constant 0 : i32
          %dma_wait3A_386 = arith.constant 0 : i32
          %dma_wait3A_387 = tpu.memref_slice %arg12[%dma_wait3A_385, %dma_wait3A_386] : memref<10000x128xf32, #tpu.memory_space<vmem_shared>> -> memref<10000x128xf32, #tpu.memory_space<vmem_shared>>
          tpu.wait_indirect_dma semaphore(%run_scoped3A_12 : memref<!tpu.dma_semaphore, #tpu.memory_space<semaphore_mem>>) src(%arg7 : memref<40x128xf32, #tpu.memory_space<vmem>>) dst(%dma_wait3A_387 : memref<10000x128xf32, #tpu.memory_space<vmem_shared>>)
          %add3A_388 = arith.constant 5 : i32
          %add3A_389 = arith.addi %mul3A_255, %add3A_388 : i32
          %add3A_390 = arith.constant 0 : i32
          %add3A_391 = arith.addi %add3A_389, %add3A_390 : i32
          %dma_start3A_392 = arith.constant 0 : i32
          %dma_start3A_393 = arith.constant 0 : i32
          %dma_start3A_394 = tpu.memref_slice %arg6[%run_scoped3A, %dma_start3A_392, %dma_start3A_393] : memref<2x50x40xi32, #tpu.memory_space<vmem>> -> memref<1x50x40xi32, #tpu.memory_space<vmem>>
          %dma_start3A_395 = tpu.memref_squeeze %dma_start3A_394 : memref<1x50x40xi32, #tpu.memory_space<vmem>> -> memref<50x40xi32, #tpu.memory_space<vmem>>
          %dma_start3A_396 = arith.constant 0 : i32
          %dma_start3A_397 = tpu.memref_slice %dma_start3A_395[%add3A_391, %dma_start3A_396] : memref<50x40xi32, #tpu.memory_space<vmem>> -> memref<1x40xi32, #tpu.memory_space<vmem>>
          %dma_start3A_398 = tpu.memref_squeeze %dma_start3A_397 : memref<1x40xi32, #tpu.memory_space<vmem>> -> memref<40xi32, #tpu.memory_space<vmem>>
          %dma_start3A_399 = arith.constant 0 : i32
          %dma_start3A_400 = arith.constant 0 : i32
          %dma_start3A_401 = tpu.memref_slice %arg2[%dma_start3A_399, %dma_start3A_400] : memref<20000x128xf32, #tpu.memory_space<hbm>> -> memref<20000x128xf32, #tpu.memory_space<hbm>>
          tpu.enqueue_indirect_dma source(%dma_start3A_401 : memref<20000x128xf32, #tpu.memory_space<hbm>>) target(%arg7 : memref<40x128xf32, #tpu.memory_space<vmem>>) offsets(%dma_start3A_398 : memref<40xi32, #tpu.memory_space<vmem>>) semaphore(%run_scoped3A_7 : memref<!tpu.dma_semaphore, #tpu.memory_space<semaphore_mem>>)
          %add3A_402 = arith.constant 1 : i32
          %add3A_403 = arith.addi %mul3A_255, %add3A_402 : i32
          %dma_wait3A_404 = arith.constant 0 : i32
          %dma_wait3A_405 = arith.constant 0 : i32
          %dma_wait3A_406 = tpu.memref_slice %arg6[%run_scoped3A_3, %dma_wait3A_404, %dma_wait3A_405] : memref<2x50x40xi32, #tpu.memory_space<vmem>> -> memref<1x50x40xi32, #tpu.memory_space<vmem>>
          %dma_wait3A_407 = tpu.memref_squeeze %dma_wait3A_406 : memref<1x50x40xi32, #tpu.memory_space<vmem>> -> memref<50x40xi32, #tpu.memory_space<vmem>>
          %dma_wait3A_408 = arith.constant 0 : i32
          %dma_wait3A_409 = tpu.memref_slice %dma_wait3A_407[%add3A_403, %dma_wait3A_408] : memref<50x40xi32, #tpu.memory_space<vmem>> -> memref<1x40xi32, #tpu.memory_space<vmem>>
          %dma_wait3A_410 = tpu.memref_squeeze %dma_wait3A_409 : memref<1x40xi32, #tpu.memory_space<vmem>> -> memref<40xi32, #tpu.memory_space<vmem>>
          %dma_wait3A_411 = arith.constant 0 : i32
          %dma_wait3A_412 = arith.constant 0 : i32
          %dma_wait3A_413 = tpu.memref_slice %arg12[%dma_wait3A_411, %dma_wait3A_412] : memref<10000x128xf32, #tpu.memory_space<vmem_shared>> -> memref<10000x128xf32, #tpu.memory_space<vmem_shared>>
          tpu.wait_indirect_dma semaphore(%run_scoped3A_13 : memref<!tpu.dma_semaphore, #tpu.memory_space<semaphore_mem>>) src(%arg8 : memref<40x128xf32, #tpu.memory_space<vmem>>) dst(%dma_wait3A_413 : memref<10000x128xf32, #tpu.memory_space<vmem_shared>>)
          %add3A_414 = arith.constant 5 : i32
          %add3A_415 = arith.addi %mul3A_255, %add3A_414 : i32
          %add3A_416 = arith.constant 1 : i32
          %add3A_417 = arith.addi %add3A_415, %add3A_416 : i32
          %dma_start3A_418 = arith.constant 0 : i32
          %dma_start3A_419 = arith.constant 0 : i32
          %dma_start3A_420 = tpu.memref_slice %arg6[%run_scoped3A, %dma_start3A_418, %dma_start3A_419] : memref<2x50x40xi32, #tpu.memory_space<vmem>> -> memref<1x50x40xi32, #tpu.memory_space<vmem>>
          %dma_start3A_421 = tpu.memref_squeeze %dma_start3A_420 : memref<1x50x40xi32, #tpu.memory_space<vmem>> -> memref<50x40xi32, #tpu.memory_space<vmem>>
          %dma_start3A_422 = arith.constant 0 : i32
          %dma_start3A_423 = tpu.memref_slice %dma_start3A_421[%add3A_417, %dma_start3A_422] : memref<50x40xi32, #tpu.memory_space<vmem>> -> memref<1x40xi32, #tpu.memory_space<vmem>>
          %dma_start3A_424 = tpu.memref_squeeze %dma_start3A_423 : memref<1x40xi32, #tpu.memory_space<vmem>> -> memref<40xi32, #tpu.memory_space<vmem>>
          %dma_start3A_425 = arith.constant 0 : i32
          %dma_start3A_426 = arith.constant 0 : i32
          %dma_start3A_427 = tpu.memref_slice %arg2[%dma_start3A_425, %dma_start3A_426] : memref<20000x128xf32, #tpu.memory_space<hbm>> -> memref<20000x128xf32, #tpu.memory_space<hbm>>
          tpu.enqueue_indirect_dma source(%dma_start3A_427 : memref<20000x128xf32, #tpu.memory_space<hbm>>) target(%arg8 : memref<40x128xf32, #tpu.memory_space<vmem>>) offsets(%dma_start3A_424 : memref<40xi32, #tpu.memory_space<vmem>>) semaphore(%run_scoped3A_8 : memref<!tpu.dma_semaphore, #tpu.memory_space<semaphore_mem>>)
          %add3A_428 = arith.constant 2 : i32
          %add3A_429 = arith.addi %mul3A_255, %add3A_428 : i32
          %dma_wait3A_430 = arith.constant 0 : i32
          %dma_wait3A_431 = arith.constant 0 : i32
          %dma_wait3A_432 = tpu.memref_slice %arg6[%run_scoped3A_3, %dma_wait3A_430, %dma_wait3A_431] : memref<2x50x40xi32, #tpu.memory_space<vmem>> -> memref<1x50x40xi32, #tpu.memory_space<vmem>>
          %dma_wait3A_433 = tpu.memref_squeeze %dma_wait3A_432 : memref<1x50x40xi32, #tpu.memory_space<vmem>> -> memref<50x40xi32, #tpu.memory_space<vmem>>
          %dma_wait3A_434 = arith.constant 0 : i32
          %dma_wait3A_435 = tpu.memref_slice %dma_wait3A_433[%add3A_429, %dma_wait3A_434] : memref<50x40xi32, #tpu.memory_space<vmem>> -> memref<1x40xi32, #tpu.memory_space<vmem>>
          %dma_wait3A_436 = tpu.memref_squeeze %dma_wait3A_435 : memref<1x40xi32, #tpu.memory_space<vmem>> -> memref<40xi32, #tpu.memory_space<vmem>>
          %dma_wait3A_437 = arith.constant 0 : i32
          %dma_wait3A_438 = arith.constant 0 : i32
          %dma_wait3A_439 = tpu.memref_slice %arg12[%dma_wait3A_437, %dma_wait3A_438] : memref<10000x128xf32, #tpu.memory_space<vmem_shared>> -> memref<10000x128xf32, #tpu.memory_space<vmem_shared>>
          tpu.wait_indirect_dma semaphore(%run_scoped3A_14 : memref<!tpu.dma_semaphore, #tpu.memory_space<semaphore_mem>>) src(%arg9 : memref<40x128xf32, #tpu.memory_space<vmem>>) dst(%dma_wait3A_439 : memref<10000x128xf32, #tpu.memory_space<vmem_shared>>)
          %add3A_440 = arith.constant 5 : i32
          %add3A_441 = arith.addi %mul3A_255, %add3A_440 : i32
          %add3A_442 = arith.constant 2 : i32
          %add3A_443 = arith.addi %add3A_441, %add3A_442 : i32
          %dma_start3A_444 = arith.constant 0 : i32
          %dma_start3A_445 = arith.constant 0 : i32
          %dma_start3A_446 = tpu.memref_slice %arg6[%run_scoped3A, %dma_start3A_444, %dma_start3A_445] : memref<2x50x40xi32, #tpu.memory_space<vmem>> -> memref<1x50x40xi32, #tpu.memory_space<vmem>>
          %dma_start3A_447 = tpu.memref_squeeze %dma_start3A_446 : memref<1x50x40xi32, #tpu.memory_space<vmem>> -> memref<50x40xi32, #tpu.memory_space<vmem>>
          %dma_start3A_448 = arith.constant 0 : i32
          %dma_start3A_449 = tpu.memref_slice %dma_start3A_447[%add3A_443, %dma_start3A_448] : memref<50x40xi32, #tpu.memory_space<vmem>> -> memref<1x40xi32, #tpu.memory_space<vmem>>
          %dma_start3A_450 = tpu.memref_squeeze %dma_start3A_449 : memref<1x40xi32, #tpu.memory_space<vmem>> -> memref<40xi32, #tpu.memory_space<vmem>>
          %dma_start3A_451 = arith.constant 0 : i32
          %dma_start3A_452 = arith.constant 0 : i32
          %dma_start3A_453 = tpu.memref_slice %arg2[%dma_start3A_451, %dma_start3A_452] : memref<20000x128xf32, #tpu.memory_space<hbm>> -> memref<20000x128xf32, #tpu.memory_space<hbm>>
          tpu.enqueue_indirect_dma source(%dma_start3A_453 : memref<20000x128xf32, #tpu.memory_space<hbm>>) target(%arg9 : memref<40x128xf32, #tpu.memory_space<vmem>>) offsets(%dma_start3A_450 : memref<40xi32, #tpu.memory_space<vmem>>) semaphore(%run_scoped3A_9 : memref<!tpu.dma_semaphore, #tpu.memory_space<semaphore_mem>>)
          %add3A_454 = arith.constant 3 : i32
          %add3A_455 = arith.addi %mul3A_255, %add3A_454 : i32
          %dma_wait3A_456 = arith.constant 0 : i32
          %dma_wait3A_457 = arith.constant 0 : i32
          %dma_wait3A_458 = tpu.memref_slice %arg6[%run_scoped3A_3, %dma_wait3A_456, %dma_wait3A_457] : memref<2x50x40xi32, #tpu.memory_space<vmem>> -> memref<1x50x40xi32, #tpu.memory_space<vmem>>
          %dma_wait3A_459 = tpu.memref_squeeze %dma_wait3A_458 : memref<1x50x40xi32, #tpu.memory_space<vmem>> -> memref<50x40xi32, #tpu.memory_space<vmem>>
          %dma_wait3A_460 = arith.constant 0 : i32
          %dma_wait3A_461 = tpu.memref_slice %dma_wait3A_459[%add3A_455, %dma_wait3A_460] : memref<50x40xi32, #tpu.memory_space<vmem>> -> memref<1x40xi32, #tpu.memory_space<vmem>>
          %dma_wait3A_462 = tpu.memref_squeeze %dma_wait3A_461 : memref<1x40xi32, #tpu.memory_space<vmem>> -> memref<40xi32, #tpu.memory_space<vmem>>
          %dma_wait3A_463 = arith.constant 0 : i32
          %dma_wait3A_464 = arith.constant 0 : i32
          %dma_wait3A_465 = tpu.memref_slice %arg12[%dma_wait3A_463, %dma_wait3A_464] : memref<10000x128xf32, #tpu.memory_space<vmem_shared>> -> memref<10000x128xf32, #tpu.memory_space<vmem_shared>>
          tpu.wait_indirect_dma semaphore(%run_scoped3A_15 : memref<!tpu.dma_semaphore, #tpu.memory_space<semaphore_mem>>) src(%arg10 : memref<40x128xf32, #tpu.memory_space<vmem>>) dst(%dma_wait3A_465 : memref<10000x128xf32, #tpu.memory_space<vmem_shared>>)
          %add3A_466 = arith.constant 5 : i32
          %add3A_467 = arith.addi %mul3A_255, %add3A_466 : i32
          %add3A_468 = arith.constant 3 : i32
          %add3A_469 = arith.addi %add3A_467, %add3A_468 : i32
          %dma_start3A_470 = arith.constant 0 : i32
          %dma_start3A_471 = arith.constant 0 : i32
          %dma_start3A_472 = tpu.memref_slice %arg6[%run_scoped3A, %dma_start3A_470, %dma_start3A_471] : memref<2x50x40xi32, #tpu.memory_space<vmem>> -> memref<1x50x40xi32, #tpu.memory_space<vmem>>
          %dma_start3A_473 = tpu.memref_squeeze %dma_start3A_472 : memref<1x50x40xi32, #tpu.memory_space<vmem>> -> memref<50x40xi32, #tpu.memory_space<vmem>>
          %dma_start3A_474 = arith.constant 0 : i32
          %dma_start3A_475 = tpu.memref_slice %dma_start3A_473[%add3A_469, %dma_start3A_474] : memref<50x40xi32, #tpu.memory_space<vmem>> -> memref<1x40xi32, #tpu.memory_space<vmem>>
          %dma_start3A_476 = tpu.memref_squeeze %dma_start3A_475 : memref<1x40xi32, #tpu.memory_space<vmem>> -> memref<40xi32, #tpu.memory_space<vmem>>
          %dma_start3A_477 = arith.constant 0 : i32
          %dma_start3A_478 = arith.constant 0 : i32
          %dma_start3A_479 = tpu.memref_slice %arg2[%dma_start3A_477, %dma_start3A_478] : memref<20000x128xf32, #tpu.memory_space<hbm>> -> memref<20000x128xf32, #tpu.memory_space<hbm>>
          tpu.enqueue_indirect_dma source(%dma_start3A_479 : memref<20000x128xf32, #tpu.memory_space<hbm>>) target(%arg10 : memref<40x128xf32, #tpu.memory_space<vmem>>) offsets(%dma_start3A_476 : memref<40xi32, #tpu.memory_space<vmem>>) semaphore(%run_scoped3A_10 : memref<!tpu.dma_semaphore, #tpu.memory_space<semaphore_mem>>)
          %add3A_480 = arith.constant 4 : i32
          %add3A_481 = arith.addi %mul3A_255, %add3A_480 : i32
          %dma_wait3A_482 = arith.constant 0 : i32
          %dma_wait3A_483 = arith.constant 0 : i32
          %dma_wait3A_484 = tpu.memref_slice %arg6[%run_scoped3A_3, %dma_wait3A_482, %dma_wait3A_483] : memref<2x50x40xi32, #tpu.memory_space<vmem>> -> memref<1x50x40xi32, #tpu.memory_space<vmem>>
          %dma_wait3A_485 = tpu.memref_squeeze %dma_wait3A_484 : memref<1x50x40xi32, #tpu.memory_space<vmem>> -> memref<50x40xi32, #tpu.memory_space<vmem>>
          %dma_wait3A_486 = arith.constant 0 : i32
          %dma_wait3A_487 = tpu.memref_slice %dma_wait3A_485[%add3A_481, %dma_wait3A_486] : memref<50x40xi32, #tpu.memory_space<vmem>> -> memref<1x40xi32, #tpu.memory_space<vmem>>
          %dma_wait3A_488 = tpu.memref_squeeze %dma_wait3A_487 : memref<1x40xi32, #tpu.memory_space<vmem>> -> memref<40xi32, #tpu.memory_space<vmem>>
          %dma_wait3A_489 = arith.constant 0 : i32
          %dma_wait3A_490 = arith.constant 0 : i32
          %dma_wait3A_491 = tpu.memref_slice %arg12[%dma_wait3A_489, %dma_wait3A_490] : memref<10000x128xf32, #tpu.memory_space<vmem_shared>> -> memref<10000x128xf32, #tpu.memory_space<vmem_shared>>
          tpu.wait_indirect_dma semaphore(%run_scoped3A_16 : memref<!tpu.dma_semaphore, #tpu.memory_space<semaphore_mem>>) src(%arg11 : memref<40x128xf32, #tpu.memory_space<vmem>>) dst(%dma_wait3A_491 : memref<10000x128xf32, #tpu.memory_space<vmem_shared>>)
          %add3A_492 = arith.constant 5 : i32
          %add3A_493 = arith.addi %mul3A_255, %add3A_492 : i32
          %add3A_494 = arith.constant 4 : i32
          %add3A_495 = arith.addi %add3A_493, %add3A_494 : i32
          %dma_start3A_496 = arith.constant 0 : i32
          %dma_start3A_497 = arith.constant 0 : i32
          %dma_start3A_498 = tpu.memref_slice %arg6[%run_scoped3A, %dma_start3A_496, %dma_start3A_497] : memref<2x50x40xi32, #tpu.memory_space<vmem>> -> memref<1x50x40xi32, #tpu.memory_space<vmem>>
          %dma_start3A_499 = tpu.memref_squeeze %dma_start3A_498 : memref<1x50x40xi32, #tpu.memory_space<vmem>> -> memref<50x40xi32, #tpu.memory_space<vmem>>
          %dma_start3A_500 = arith.constant 0 : i32
          %dma_start3A_501 = tpu.memref_slice %dma_start3A_499[%add3A_495, %dma_start3A_500] : memref<50x40xi32, #tpu.memory_space<vmem>> -> memref<1x40xi32, #tpu.memory_space<vmem>>
          %dma_start3A_502 = tpu.memref_squeeze %dma_start3A_501 : memref<1x40xi32, #tpu.memory_space<vmem>> -> memref<40xi32, #tpu.memory_space<vmem>>
          %dma_start3A_503 = arith.constant 0 : i32
          %dma_start3A_504 = arith.constant 0 : i32
          %dma_start3A_505 = tpu.memref_slice %arg2[%dma_start3A_503, %dma_start3A_504] : memref<20000x128xf32, #tpu.memory_space<hbm>> -> memref<20000x128xf32, #tpu.memory_space<hbm>>
          tpu.enqueue_indirect_dma source(%dma_start3A_505 : memref<20000x128xf32, #tpu.memory_space<hbm>>) target(%arg11 : memref<40x128xf32, #tpu.memory_space<vmem>>) offsets(%dma_start3A_502 : memref<40xi32, #tpu.memory_space<vmem>>) semaphore(%run_scoped3A_11 : memref<!tpu.dma_semaphore, #tpu.memory_space<semaphore_mem>>)
        }
        %scan3A_84 = arith.constant 9 : i32
        %dma_wait3A = arith.constant 45 : i32
        %dma_wait3A_85 = arith.constant 0 : i32
        %dma_wait3A_86 = arith.constant 0 : i32
        %dma_wait3A_87 = tpu.memref_slice %arg6[%run_scoped3A, %dma_wait3A_85, %dma_wait3A_86] : memref<2x50x40xi32, #tpu.memory_space<vmem>> -> memref<1x50x40xi32, #tpu.memory_space<vmem>>
        %dma_wait3A_88 = tpu.memref_squeeze %dma_wait3A_87 : memref<1x50x40xi32, #tpu.memory_space<vmem>> -> memref<50x40xi32, #tpu.memory_space<vmem>>
        %dma_wait3A_89 = arith.constant 0 : i32
        %dma_wait3A_90 = tpu.memref_slice %dma_wait3A_88[%dma_wait3A, %dma_wait3A_89] : memref<50x40xi32, #tpu.memory_space<vmem>> -> memref<1x40xi32, #tpu.memory_space<vmem>>
        %dma_wait3A_91 = tpu.memref_squeeze %dma_wait3A_90 : memref<1x40xi32, #tpu.memory_space<vmem>> -> memref<40xi32, #tpu.memory_space<vmem>>
        %dma_wait3A_92 = arith.constant 0 : i32
        %dma_wait3A_93 = arith.constant 0 : i32
        %dma_wait3A_94 = tpu.memref_slice %arg2[%dma_wait3A_92, %dma_wait3A_93] : memref<20000x128xf32, #tpu.memory_space<hbm>> -> memref<20000x128xf32, #tpu.memory_space<hbm>>
        tpu.wait_indirect_dma semaphore(%run_scoped3A_7 : memref<!tpu.dma_semaphore, #tpu.memory_space<semaphore_mem>>) src(%dma_wait3A_94 : memref<20000x128xf32, #tpu.memory_space<hbm>>) dst(%arg7 : memref<40x128xf32, #tpu.memory_space<vmem>>)
        %dma_start3A_95 = arith.constant 45 : i32
        %dma_start3A_96 = arith.constant 0 : i32
        %dma_start3A_97 = arith.constant 0 : i32
        %dma_start3A_98 = tpu.memref_slice %arg6[%run_scoped3A_3, %dma_start3A_96, %dma_start3A_97] : memref<2x50x40xi32, #tpu.memory_space<vmem>> -> memref<1x50x40xi32, #tpu.memory_space<vmem>>
        %dma_start3A_99 = tpu.memref_squeeze %dma_start3A_98 : memref<1x50x40xi32, #tpu.memory_space<vmem>> -> memref<50x40xi32, #tpu.memory_space<vmem>>
        %dma_start3A_100 = arith.constant 0 : i32
        %dma_start3A_101 = tpu.memref_slice %dma_start3A_99[%dma_start3A_95, %dma_start3A_100] : memref<50x40xi32, #tpu.memory_space<vmem>> -> memref<1x40xi32, #tpu.memory_space<vmem>>
        %dma_start3A_102 = tpu.memref_squeeze %dma_start3A_101 : memref<1x40xi32, #tpu.memory_space<vmem>> -> memref<40xi32, #tpu.memory_space<vmem>>
        %dma_start3A_103 = arith.constant 0 : i32
        %dma_start3A_104 = arith.constant 0 : i32
        %dma_start3A_105 = tpu.memref_slice %arg12[%dma_start3A_103, %dma_start3A_104] : memref<10000x128xf32, #tpu.memory_space<vmem_shared>> -> memref<10000x128xf32, #tpu.memory_space<vmem_shared>>
        tpu.enqueue_indirect_dma source(%arg7 : memref<40x128xf32, #tpu.memory_space<vmem>>) target(%dma_start3A_105 : memref<10000x128xf32, #tpu.memory_space<vmem_shared>>) offsets(%dma_start3A_102 : memref<40xi32, #tpu.memory_space<vmem>>) semaphore(%run_scoped3A_12 : memref<!tpu.dma_semaphore, #tpu.memory_space<semaphore_mem>>) {add = true}
        %dma_wait3A_106 = arith.constant 46 : i32
        %dma_wait3A_107 = arith.constant 0 : i32
        %dma_wait3A_108 = arith.constant 0 : i32
        %dma_wait3A_109 = tpu.memref_slice %arg6[%run_scoped3A, %dma_wait3A_107, %dma_wait3A_108] : memref<2x50x40xi32, #tpu.memory_space<vmem>> -> memref<1x50x40xi32, #tpu.memory_space<vmem>>
        %dma_wait3A_110 = tpu.memref_squeeze %dma_wait3A_109 : memref<1x50x40xi32, #tpu.memory_space<vmem>> -> memref<50x40xi32, #tpu.memory_space<vmem>>
        %dma_wait3A_111 = arith.constant 0 : i32
        %dma_wait3A_112 = tpu.memref_slice %dma_wait3A_110[%dma_wait3A_106, %dma_wait3A_111] : memref<50x40xi32, #tpu.memory_space<vmem>> -> memref<1x40xi32, #tpu.memory_space<vmem>>
        %dma_wait3A_113 = tpu.memref_squeeze %dma_wait3A_112 : memref<1x40xi32, #tpu.memory_space<vmem>> -> memref<40xi32, #tpu.memory_space<vmem>>
        %dma_wait3A_114 = arith.constant 0 : i32
        %dma_wait3A_115 = arith.constant 0 : i32
        %dma_wait3A_116 = tpu.memref_slice %arg2[%dma_wait3A_114, %dma_wait3A_115] : memref<20000x128xf32, #tpu.memory_space<hbm>> -> memref<20000x128xf32, #tpu.memory_space<hbm>>
        tpu.wait_indirect_dma semaphore(%run_scoped3A_8 : memref<!tpu.dma_semaphore, #tpu.memory_space<semaphore_mem>>) src(%dma_wait3A_116 : memref<20000x128xf32, #tpu.memory_space<hbm>>) dst(%arg8 : memref<40x128xf32, #tpu.memory_space<vmem>>)
        %dma_start3A_117 = arith.constant 46 : i32
        %dma_start3A_118 = arith.constant 0 : i32
        %dma_start3A_119 = arith.constant 0 : i32
        %dma_start3A_120 = tpu.memref_slice %arg6[%run_scoped3A_3, %dma_start3A_118, %dma_start3A_119] : memref<2x50x40xi32, #tpu.memory_space<vmem>> -> memref<1x50x40xi32, #tpu.memory_space<vmem>>
        %dma_start3A_121 = tpu.memref_squeeze %dma_start3A_120 : memref<1x50x40xi32, #tpu.memory_space<vmem>> -> memref<50x40xi32, #tpu.memory_space<vmem>>
        %dma_start3A_122 = arith.constant 0 : i32
        %dma_start3A_123 = tpu.memref_slice %dma_start3A_121[%dma_start3A_117, %dma_start3A_122] : memref<50x40xi32, #tpu.memory_space<vmem>> -> memref<1x40xi32, #tpu.memory_space<vmem>>
        %dma_start3A_124 = tpu.memref_squeeze %dma_start3A_123 : memref<1x40xi32, #tpu.memory_space<vmem>> -> memref<40xi32, #tpu.memory_space<vmem>>
        %dma_start3A_125 = arith.constant 0 : i32
        %dma_start3A_126 = arith.constant 0 : i32
        %dma_start3A_127 = tpu.memref_slice %arg12[%dma_start3A_125, %dma_start3A_126] : memref<10000x128xf32, #tpu.memory_space<vmem_shared>> -> memref<10000x128xf32, #tpu.memory_space<vmem_shared>>
        tpu.enqueue_indirect_dma source(%arg8 : memref<40x128xf32, #tpu.memory_space<vmem>>) target(%dma_start3A_127 : memref<10000x128xf32, #tpu.memory_space<vmem_shared>>) offsets(%dma_start3A_124 : memref<40xi32, #tpu.memory_space<vmem>>) semaphore(%run_scoped3A_13 : memref<!tpu.dma_semaphore, #tpu.memory_space<semaphore_mem>>) {add = true}
        %dma_wait3A_128 = arith.constant 47 : i32
        %dma_wait3A_129 = arith.constant 0 : i32
        %dma_wait3A_130 = arith.constant 0 : i32
        %dma_wait3A_131 = tpu.memref_slice %arg6[%run_scoped3A, %dma_wait3A_129, %dma_wait3A_130] : memref<2x50x40xi32, #tpu.memory_space<vmem>> -> memref<1x50x40xi32, #tpu.memory_space<vmem>>
        %dma_wait3A_132 = tpu.memref_squeeze %dma_wait3A_131 : memref<1x50x40xi32, #tpu.memory_space<vmem>> -> memref<50x40xi32, #tpu.memory_space<vmem>>
        %dma_wait3A_133 = arith.constant 0 : i32
        %dma_wait3A_134 = tpu.memref_slice %dma_wait3A_132[%dma_wait3A_128, %dma_wait3A_133] : memref<50x40xi32, #tpu.memory_space<vmem>> -> memref<1x40xi32, #tpu.memory_space<vmem>>
        %dma_wait3A_135 = tpu.memref_squeeze %dma_wait3A_134 : memref<1x40xi32, #tpu.memory_space<vmem>> -> memref<40xi32, #tpu.memory_space<vmem>>
        %dma_wait3A_136 = arith.constant 0 : i32
        %dma_wait3A_137 = arith.constant 0 : i32
        %dma_wait3A_138 = tpu.memref_slice %arg2[%dma_wait3A_136, %dma_wait3A_137] : memref<20000x128xf32, #tpu.memory_space<hbm>> -> memref<20000x128xf32, #tpu.memory_space<hbm>>
        tpu.wait_indirect_dma semaphore(%run_scoped3A_9 : memref<!tpu.dma_semaphore, #tpu.memory_space<semaphore_mem>>) src(%dma_wait3A_138 : memref<20000x128xf32, #tpu.memory_space<hbm>>) dst(%arg9 : memref<40x128xf32, #tpu.memory_space<vmem>>)
        %dma_start3A_139 = arith.constant 47 : i32
        %dma_start3A_140 = arith.constant 0 : i32
        %dma_start3A_141 = arith.constant 0 : i32
        %dma_start3A_142 = tpu.memref_slice %arg6[%run_scoped3A_3, %dma_start3A_140, %dma_start3A_141] : memref<2x50x40xi32, #tpu.memory_space<vmem>> -> memref<1x50x40xi32, #tpu.memory_space<vmem>>
        %dma_start3A_143 = tpu.memref_squeeze %dma_start3A_142 : memref<1x50x40xi32, #tpu.memory_space<vmem>> -> memref<50x40xi32, #tpu.memory_space<vmem>>
        %dma_start3A_144 = arith.constant 0 : i32
        %dma_start3A_145 = tpu.memref_slice %dma_start3A_143[%dma_start3A_139, %dma_start3A_144] : memref<50x40xi32, #tpu.memory_space<vmem>> -> memref<1x40xi32, #tpu.memory_space<vmem>>
        %dma_start3A_146 = tpu.memref_squeeze %dma_start3A_145 : memref<1x40xi32, #tpu.memory_space<vmem>> -> memref<40xi32, #tpu.memory_space<vmem>>
        %dma_start3A_147 = arith.constant 0 : i32
        %dma_start3A_148 = arith.constant 0 : i32
        %dma_start3A_149 = tpu.memref_slice %arg12[%dma_start3A_147, %dma_start3A_148] : memref<10000x128xf32, #tpu.memory_space<vmem_shared>> -> memref<10000x128xf32, #tpu.memory_space<vmem_shared>>
        tpu.enqueue_indirect_dma source(%arg9 : memref<40x128xf32, #tpu.memory_space<vmem>>) target(%dma_start3A_149 : memref<10000x128xf32, #tpu.memory_space<vmem_shared>>) offsets(%dma_start3A_146 : memref<40xi32, #tpu.memory_space<vmem>>) semaphore(%run_scoped3A_14 : memref<!tpu.dma_semaphore, #tpu.memory_space<semaphore_mem>>) {add = true}
        %dma_wait3A_150 = arith.constant 48 : i32
        %dma_wait3A_151 = arith.constant 0 : i32
        %dma_wait3A_152 = arith.constant 0 : i32
        %dma_wait3A_153 = tpu.memref_slice %arg6[%run_scoped3A, %dma_wait3A_151, %dma_wait3A_152] : memref<2x50x40xi32, #tpu.memory_space<vmem>> -> memref<1x50x40xi32, #tpu.memory_space<vmem>>
        %dma_wait3A_154 = tpu.memref_squeeze %dma_wait3A_153 : memref<1x50x40xi32, #tpu.memory_space<vmem>> -> memref<50x40xi32, #tpu.memory_space<vmem>>
        %dma_wait3A_155 = arith.constant 0 : i32
        %dma_wait3A_156 = tpu.memref_slice %dma_wait3A_154[%dma_wait3A_150, %dma_wait3A_155] : memref<50x40xi32, #tpu.memory_space<vmem>> -> memref<1x40xi32, #tpu.memory_space<vmem>>
        %dma_wait3A_157 = tpu.memref_squeeze %dma_wait3A_156 : memref<1x40xi32, #tpu.memory_space<vmem>> -> memref<40xi32, #tpu.memory_space<vmem>>
        %dma_wait3A_158 = arith.constant 0 : i32
        %dma_wait3A_159 = arith.constant 0 : i32
        %dma_wait3A_160 = tpu.memref_slice %arg2[%dma_wait3A_158, %dma_wait3A_159] : memref<20000x128xf32, #tpu.memory_space<hbm>> -> memref<20000x128xf32, #tpu.memory_space<hbm>>
        tpu.wait_indirect_dma semaphore(%run_scoped3A_10 : memref<!tpu.dma_semaphore, #tpu.memory_space<semaphore_mem>>) src(%dma_wait3A_160 : memref<20000x128xf32, #tpu.memory_space<hbm>>) dst(%arg10 : memref<40x128xf32, #tpu.memory_space<vmem>>)
        %dma_start3A_161 = arith.constant 48 : i32
        %dma_start3A_162 = arith.constant 0 : i32
        %dma_start3A_163 = arith.constant 0 : i32
        %dma_start3A_164 = tpu.memref_slice %arg6[%run_scoped3A_3, %dma_start3A_162, %dma_start3A_163] : memref<2x50x40xi32, #tpu.memory_space<vmem>> -> memref<1x50x40xi32, #tpu.memory_space<vmem>>
        %dma_start3A_165 = tpu.memref_squeeze %dma_start3A_164 : memref<1x50x40xi32, #tpu.memory_space<vmem>> -> memref<50x40xi32, #tpu.memory_space<vmem>>
        %dma_start3A_166 = arith.constant 0 : i32
        %dma_start3A_167 = tpu.memref_slice %dma_start3A_165[%dma_start3A_161, %dma_start3A_166] : memref<50x40xi32, #tpu.memory_space<vmem>> -> memref<1x40xi32, #tpu.memory_space<vmem>>
        %dma_start3A_168 = tpu.memref_squeeze %dma_start3A_167 : memref<1x40xi32, #tpu.memory_space<vmem>> -> memref<40xi32, #tpu.memory_space<vmem>>
        %dma_start3A_169 = arith.constant 0 : i32
        %dma_start3A_170 = arith.constant 0 : i32
        %dma_start3A_171 = tpu.memref_slice %arg12[%dma_start3A_169, %dma_start3A_170] : memref<10000x128xf32, #tpu.memory_space<vmem_shared>> -> memref<10000x128xf32, #tpu.memory_space<vmem_shared>>
        tpu.enqueue_indirect_dma source(%arg10 : memref<40x128xf32, #tpu.memory_space<vmem>>) target(%dma_start3A_171 : memref<10000x128xf32, #tpu.memory_space<vmem_shared>>) offsets(%dma_start3A_168 : memref<40xi32, #tpu.memory_space<vmem>>) semaphore(%run_scoped3A_15 : memref<!tpu.dma_semaphore, #tpu.memory_space<semaphore_mem>>) {add = true}
        %dma_wait3A_172 = arith.constant 49 : i32
        %dma_wait3A_173 = arith.constant 0 : i32
        %dma_wait3A_174 = arith.constant 0 : i32
        %dma_wait3A_175 = tpu.memref_slice %arg6[%run_scoped3A, %dma_wait3A_173, %dma_wait3A_174] : memref<2x50x40xi32, #tpu.memory_space<vmem>> -> memref<1x50x40xi32, #tpu.memory_space<vmem>>
        %dma_wait3A_176 = tpu.memref_squeeze %dma_wait3A_175 : memref<1x50x40xi32, #tpu.memory_space<vmem>> -> memref<50x40xi32, #tpu.memory_space<vmem>>
        %dma_wait3A_177 = arith.constant 0 : i32
        %dma_wait3A_178 = tpu.memref_slice %dma_wait3A_176[%dma_wait3A_172, %dma_wait3A_177] : memref<50x40xi32, #tpu.memory_space<vmem>> -> memref<1x40xi32, #tpu.memory_space<vmem>>
        %dma_wait3A_179 = tpu.memref_squeeze %dma_wait3A_178 : memref<1x40xi32, #tpu.memory_space<vmem>> -> memref<40xi32, #tpu.memory_space<vmem>>
        %dma_wait3A_180 = arith.constant 0 : i32
        %dma_wait3A_181 = arith.constant 0 : i32
        %dma_wait3A_182 = tpu.memref_slice %arg2[%dma_wait3A_180, %dma_wait3A_181] : memref<20000x128xf32, #tpu.memory_space<hbm>> -> memref<20000x128xf32, #tpu.memory_space<hbm>>
        tpu.wait_indirect_dma semaphore(%run_scoped3A_11 : memref<!tpu.dma_semaphore, #tpu.memory_space<semaphore_mem>>) src(%dma_wait3A_182 : memref<20000x128xf32, #tpu.memory_space<hbm>>) dst(%arg11 : memref<40x128xf32, #tpu.memory_space<vmem>>)
        %dma_start3A_183 = arith.constant 49 : i32
        %dma_start3A_184 = arith.constant 0 : i32
        %dma_start3A_185 = arith.constant 0 : i32
        %dma_start3A_186 = tpu.memref_slice %arg6[%run_scoped3A_3, %dma_start3A_184, %dma_start3A_185] : memref<2x50x40xi32, #tpu.memory_space<vmem>> -> memref<1x50x40xi32, #tpu.memory_space<vmem>>
        %dma_start3A_187 = tpu.memref_squeeze %dma_start3A_186 : memref<1x50x40xi32, #tpu.memory_space<vmem>> -> memref<50x40xi32, #tpu.memory_space<vmem>>
        %dma_start3A_188 = arith.constant 0 : i32
        %dma_start3A_189 = tpu.memref_slice %dma_start3A_187[%dma_start3A_183, %dma_start3A_188] : memref<50x40xi32, #tpu.memory_space<vmem>> -> memref<1x40xi32, #tpu.memory_space<vmem>>
        %dma_start3A_190 = tpu.memref_squeeze %dma_start3A_189 : memref<1x40xi32, #tpu.memory_space<vmem>> -> memref<40xi32, #tpu.memory_space<vmem>>
        %dma_start3A_191 = arith.constant 0 : i32
        %dma_start3A_192 = arith.constant 0 : i32
        %dma_start3A_193 = tpu.memref_slice %arg12[%dma_start3A_191, %dma_start3A_192] : memref<10000x128xf32, #tpu.memory_space<vmem_shared>> -> memref<10000x128xf32, #tpu.memory_space<vmem_shared>>
        tpu.enqueue_indirect_dma source(%arg11 : memref<40x128xf32, #tpu.memory_space<vmem>>) target(%dma_start3A_193 : memref<10000x128xf32, #tpu.memory_space<vmem_shared>>) offsets(%dma_start3A_190 : memref<40xi32, #tpu.memory_space<vmem>>) semaphore(%run_scoped3A_16 : memref<!tpu.dma_semaphore, #tpu.memory_space<semaphore_mem>>) {add = true}
        %dma_wait3A_194 = arith.constant 45 : i32
        %dma_wait3A_195 = arith.constant 0 : i32
        %dma_wait3A_196 = arith.constant 0 : i32
        %dma_wait3A_197 = tpu.memref_slice %arg6[%run_scoped3A_3, %dma_wait3A_195, %dma_wait3A_196] : memref<2x50x40xi32, #tpu.memory_space<vmem>> -> memref<1x50x40xi32, #tpu.memory_space<vmem>>
        %dma_wait3A_198 = tpu.memref_squeeze %dma_wait3A_197 : memref<1x50x40xi32, #tpu.memory_space<vmem>> -> memref<50x40xi32, #tpu.memory_space<vmem>>
        %dma_wait3A_199 = arith.constant 0 : i32
        %dma_wait3A_200 = tpu.memref_slice %dma_wait3A_198[%dma_wait3A_194, %dma_wait3A_199] : memref<50x40xi32, #tpu.memory_space<vmem>> -> memref<1x40xi32, #tpu.memory_space<vmem>>
        %dma_wait3A_201 = tpu.memref_squeeze %dma_wait3A_200 : memref<1x40xi32, #tpu.memory_space<vmem>> -> memref<40xi32, #tpu.memory_space<vmem>>
        %dma_wait3A_202 = arith.constant 0 : i32
        %dma_wait3A_203 = arith.constant 0 : i32
        %dma_wait3A_204 = tpu.memref_slice %arg12[%dma_wait3A_202, %dma_wait3A_203] : memref<10000x128xf32, #tpu.memory_space<vmem_shared>> -> memref<10000x128xf32, #tpu.memory_space<vmem_shared>>
        tpu.wait_indirect_dma semaphore(%run_scoped3A_12 : memref<!tpu.dma_semaphore, #tpu.memory_space<semaphore_mem>>) src(%arg7 : memref<40x128xf32, #tpu.memory_space<vmem>>) dst(%dma_wait3A_204 : memref<10000x128xf32, #tpu.memory_space<vmem_shared>>)
        %dma_wait3A_205 = arith.constant 46 : i32
        %dma_wait3A_206 = arith.constant 0 : i32
        %dma_wait3A_207 = arith.constant 0 : i32
        %dma_wait3A_208 = tpu.memref_slice %arg6[%run_scoped3A_3, %dma_wait3A_206, %dma_wait3A_207] : memref<2x50x40xi32, #tpu.memory_space<vmem>> -> memref<1x50x40xi32, #tpu.memory_space<vmem>>
        %dma_wait3A_209 = tpu.memref_squeeze %dma_wait3A_208 : memref<1x50x40xi32, #tpu.memory_space<vmem>> -> memref<50x40xi32, #tpu.memory_space<vmem>>
        %dma_wait3A_210 = arith.constant 0 : i32
        %dma_wait3A_211 = tpu.memref_slice %dma_wait3A_209[%dma_wait3A_205, %dma_wait3A_210] : memref<50x40xi32, #tpu.memory_space<vmem>> -> memref<1x40xi32, #tpu.memory_space<vmem>>
        %dma_wait3A_212 = tpu.memref_squeeze %dma_wait3A_211 : memref<1x40xi32, #tpu.memory_space<vmem>> -> memref<40xi32, #tpu.memory_space<vmem>>
        %dma_wait3A_213 = arith.constant 0 : i32
        %dma_wait3A_214 = arith.constant 0 : i32
        %dma_wait3A_215 = tpu.memref_slice %arg12[%dma_wait3A_213, %dma_wait3A_214] : memref<10000x128xf32, #tpu.memory_space<vmem_shared>> -> memref<10000x128xf32, #tpu.memory_space<vmem_shared>>
        tpu.wait_indirect_dma semaphore(%run_scoped3A_13 : memref<!tpu.dma_semaphore, #tpu.memory_space<semaphore_mem>>) src(%arg8 : memref<40x128xf32, #tpu.memory_space<vmem>>) dst(%dma_wait3A_215 : memref<10000x128xf32, #tpu.memory_space<vmem_shared>>)
        %dma_wait3A_216 = arith.constant 47 : i32
        %dma_wait3A_217 = arith.constant 0 : i32
        %dma_wait3A_218 = arith.constant 0 : i32
        %dma_wait3A_219 = tpu.memref_slice %arg6[%run_scoped3A_3, %dma_wait3A_217, %dma_wait3A_218] : memref<2x50x40xi32, #tpu.memory_space<vmem>> -> memref<1x50x40xi32, #tpu.memory_space<vmem>>
        %dma_wait3A_220 = tpu.memref_squeeze %dma_wait3A_219 : memref<1x50x40xi32, #tpu.memory_space<vmem>> -> memref<50x40xi32, #tpu.memory_space<vmem>>
        %dma_wait3A_221 = arith.constant 0 : i32
        %dma_wait3A_222 = tpu.memref_slice %dma_wait3A_220[%dma_wait3A_216, %dma_wait3A_221] : memref<50x40xi32, #tpu.memory_space<vmem>> -> memref<1x40xi32, #tpu.memory_space<vmem>>
        %dma_wait3A_223 = tpu.memref_squeeze %dma_wait3A_222 : memref<1x40xi32, #tpu.memory_space<vmem>> -> memref<40xi32, #tpu.memory_space<vmem>>
        %dma_wait3A_224 = arith.constant 0 : i32
        %dma_wait3A_225 = arith.constant 0 : i32
        %dma_wait3A_226 = tpu.memref_slice %arg12[%dma_wait3A_224, %dma_wait3A_225] : memref<10000x128xf32, #tpu.memory_space<vmem_shared>> -> memref<10000x128xf32, #tpu.memory_space<vmem_shared>>
        tpu.wait_indirect_dma semaphore(%run_scoped3A_14 : memref<!tpu.dma_semaphore, #tpu.memory_space<semaphore_mem>>) src(%arg9 : memref<40x128xf32, #tpu.memory_space<vmem>>) dst(%dma_wait3A_226 : memref<10000x128xf32, #tpu.memory_space<vmem_shared>>)
        %dma_wait3A_227 = arith.constant 48 : i32
        %dma_wait3A_228 = arith.constant 0 : i32
        %dma_wait3A_229 = arith.constant 0 : i32
        %dma_wait3A_230 = tpu.memref_slice %arg6[%run_scoped3A_3, %dma_wait3A_228, %dma_wait3A_229] : memref<2x50x40xi32, #tpu.memory_space<vmem>> -> memref<1x50x40xi32, #tpu.memory_space<vmem>>
        %dma_wait3A_231 = tpu.memref_squeeze %dma_wait3A_230 : memref<1x50x40xi32, #tpu.memory_space<vmem>> -> memref<50x40xi32, #tpu.memory_space<vmem>>
        %dma_wait3A_232 = arith.constant 0 : i32
        %dma_wait3A_233 = tpu.memref_slice %dma_wait3A_231[%dma_wait3A_227, %dma_wait3A_232] : memref<50x40xi32, #tpu.memory_space<vmem>> -> memref<1x40xi32, #tpu.memory_space<vmem>>
        %dma_wait3A_234 = tpu.memref_squeeze %dma_wait3A_233 : memref<1x40xi32, #tpu.memory_space<vmem>> -> memref<40xi32, #tpu.memory_space<vmem>>
        %dma_wait3A_235 = arith.constant 0 : i32
        %dma_wait3A_236 = arith.constant 0 : i32
        %dma_wait3A_237 = tpu.memref_slice %arg12[%dma_wait3A_235, %dma_wait3A_236] : memref<10000x128xf32, #tpu.memory_space<vmem_shared>> -> memref<10000x128xf32, #tpu.memory_space<vmem_shared>>
        tpu.wait_indirect_dma semaphore(%run_scoped3A_15 : memref<!tpu.dma_semaphore, #tpu.memory_space<semaphore_mem>>) src(%arg10 : memref<40x128xf32, #tpu.memory_space<vmem>>) dst(%dma_wait3A_237 : memref<10000x128xf32, #tpu.memory_space<vmem_shared>>)
        %dma_wait3A_238 = arith.constant 49 : i32
        %dma_wait3A_239 = arith.constant 0 : i32
        %dma_wait3A_240 = arith.constant 0 : i32
        %dma_wait3A_241 = tpu.memref_slice %arg6[%run_scoped3A_3, %dma_wait3A_239, %dma_wait3A_240] : memref<2x50x40xi32, #tpu.memory_space<vmem>> -> memref<1x50x40xi32, #tpu.memory_space<vmem>>
        %dma_wait3A_242 = tpu.memref_squeeze %dma_wait3A_241 : memref<1x50x40xi32, #tpu.memory_space<vmem>> -> memref<50x40xi32, #tpu.memory_space<vmem>>
        %dma_wait3A_243 = arith.constant 0 : i32
        %dma_wait3A_244 = tpu.memref_slice %dma_wait3A_242[%dma_wait3A_238, %dma_wait3A_243] : memref<50x40xi32, #tpu.memory_space<vmem>> -> memref<1x40xi32, #tpu.memory_space<vmem>>
        %dma_wait3A_245 = tpu.memref_squeeze %dma_wait3A_244 : memref<1x40xi32, #tpu.memory_space<vmem>> -> memref<40xi32, #tpu.memory_space<vmem>>
        %dma_wait3A_246 = arith.constant 0 : i32
        %dma_wait3A_247 = arith.constant 0 : i32
        %dma_wait3A_248 = tpu.memref_slice %arg12[%dma_wait3A_246, %dma_wait3A_247] : memref<10000x128xf32, #tpu.memory_space<vmem_shared>> -> memref<10000x128xf32, #tpu.memory_space<vmem_shared>>
        tpu.wait_indirect_dma semaphore(%run_scoped3A_16 : memref<!tpu.dma_semaphore, #tpu.memory_space<semaphore_mem>>) src(%arg11 : memref<40x128xf32, #tpu.memory_space<vmem>>) dst(%dma_wait3A_248 : memref<10000x128xf32, #tpu.memory_space<vmem_shared>>)
      }
      %scan3A_20 = arith.constant 5 : i32
      tpu.yield
    }) : () -> ()
    %barrier3A_4 = arith.constant 0 : index
    tpu.barrier barrier_id(%barrier3A_4)
    %mul3A_5 = arith.constant 625 : i32
    %mul3A_6 = arith.muli %arg1, %mul3A_5 : i32
    "tpu.region"() ({
      %run_scoped3A_7 = tpu.sem_alloc : memref<!tpu.dma_semaphore, #tpu.memory_space<semaphore_mem>>
      %dma_start3A = arith.constant 0 : i32
      %dma_start3A_8 = arith.constant 0 : i32
      %dma_start3A_9 = tpu.memref_slice %arg5[%add3A, %dma_start3A, %dma_start3A_8] : memref<32x625x128xf32, #tpu.memory_space<hbm>> -> memref<1x625x128xf32, #tpu.memory_space<hbm>>
      %dma_start3A_10 = tpu.memref_squeeze %dma_start3A_9 : memref<1x625x128xf32, #tpu.memory_space<hbm>> -> memref<625x128xf32, #tpu.memory_space<hbm>>
      %dma_start3A_11 = arith.constant 0 : i32
      %dma_start3A_12 = tpu.memref_slice %arg12[%mul3A_6, %dma_start3A_11] : memref<10000x128xf32, #tpu.memory_space<vmem_shared>> -> memref<625x128xf32, #tpu.memory_space<vmem_shared>>
      tpu.enqueue_dma source(%dma_start3A_12 : memref<625x128xf32, #tpu.memory_space<vmem_shared>>) target(%dma_start3A_10 : memref<625x128xf32, #tpu.memory_space<hbm>>) target_semaphore(%run_scoped3A_7 : memref<!tpu.dma_semaphore, #tpu.memory_space<semaphore_mem>>)
      %dma_wait3A = arith.constant 0 : i32
      %dma_wait3A_13 = arith.constant 0 : i32
      %dma_wait3A_14 = tpu.memref_slice %arg5[%add3A, %dma_wait3A, %dma_wait3A_13] : memref<32x625x128xf32, #tpu.memory_space<hbm>> -> memref<1x625x128xf32, #tpu.memory_space<hbm>>
      %dma_wait3A_15 = tpu.memref_squeeze %dma_wait3A_14 : memref<1x625x128xf32, #tpu.memory_space<hbm>> -> memref<625x128xf32, #tpu.memory_space<hbm>>
      %dma_wait3A_16 = arith.constant 0 : i32
      %dma_wait3A_17 = tpu.memref_slice %arg12[%mul3A_6, %dma_wait3A_16] : memref<10000x128xf32, #tpu.memory_space<vmem_shared>> -> memref<625x128xf32, #tpu.memory_space<vmem_shared>>
      tpu.wait_dma2 semaphore(%run_scoped3A_7 : memref<!tpu.dma_semaphore, #tpu.memory_space<semaphore_mem>>) src(%dma_wait3A_17 : memref<625x128xf32, #tpu.memory_space<vmem_shared>>) dst(%dma_wait3A_15 : memref<625x128xf32, #tpu.memory_space<hbm>>)
      tpu.yield
    }) : () -> ()
    return
  }
}

module attributes {stable_mosaic.version = 14 : i64} {
  func.func @_tc1_body(%arg0: i32, %arg1: memref<2000x32xf32, #tpu.memory_space<vmem>>, %arg2: memref<2000x128xf32, #tpu.memory_space<vmem>>, %arg3: memref<2000x1xf32, #tpu.memory_space<vmem>>, %arg4: memref<2000x128xf32, #tpu.memory_space<vmem>>) attributes {dimension_semantics = [#tpu.dimension_semantics<arbitrary>], iteration_bounds = array<i64: 5>, scalar_prefetch = 0 : i64, scratch_operands = 0 : i64, tpu.core_type = #tpu.core_type<tc>, window_params = [{transform_indices = @transform_0, window_bounds = array<i64: 2000, 32>}, {transform_indices = @transform_1, window_bounds = array<i64: 2000, 128>}, {transform_indices = @transform_2, window_bounds = array<i64: 2000, 1>}, {transform_indices = @transform_3, window_bounds = array<i64: 2000, 128>}]} {
    %get3A = arith.constant 0 : index
    %get3A_0 = arith.constant 0 : index
    %get3A_1 = vector.load %arg1[%get3A, %get3A_0] : memref<2000x32xf32, #tpu.memory_space<vmem>>, vector<2000x32xf32>
    %reduce_sum3A = arith.constant dense<0.000000e+00> : vector<2000xf32>
    %reduce_sum3A_2 = vector.multi_reduction <add>, %get3A_1, %reduce_sum3A [1] : vector<2000x32xf32> to vector<2000xf32>
    %broadcast_in_dim3A = vector.shape_cast %reduce_sum3A_2 : vector<2000xf32> to vector<2000x1xf32>
    %add3A = arith.constant 1.000000e+00 : f32
    %add3A_3 = vector.broadcast %add3A : f32 to vector<2000x1xf32>
    %add3A_4 = arith.addf %broadcast_in_dim3A, %add3A_3 : vector<2000x1xf32>
    %rsqrt3A = math.rsqrt %add3A_4 : vector<2000x1xf32>
    %swap3A = arith.constant 0 : index
    %swap3A_5 = arith.constant 0 : index
    %swap3A_6 = vector.load %arg3[%swap3A, %swap3A_5] : memref<2000x1xf32, #tpu.memory_space<vmem>>, vector<2000x1xf32>
    tpu.vector_store %arg3[%swap3A, %swap3A_5], %rsqrt3A {strides = array<i32>} : memref<2000x1xf32, #tpu.memory_space<vmem>>, vector<2000x1xf32>,
    %get3A_7 = arith.constant 0 : index
    %get3A_8 = arith.constant 0 : index
    %get3A_9 = vector.load %arg2[%get3A_7, %get3A_8] : memref<2000x128xf32, #tpu.memory_space<vmem>>, vector<2000x128xf32>
    %mul3A = vector.broadcast %rsqrt3A : vector<2000x1xf32> to vector<2000x128xf32>
    %mul3A_10 = arith.mulf %get3A_9, %mul3A : vector<2000x128xf32>
    %swap3A_11 = arith.constant 0 : index
    %swap3A_12 = arith.constant 0 : index
    %swap3A_13 = vector.load %arg4[%swap3A_11, %swap3A_12] : memref<2000x128xf32, #tpu.memory_space<vmem>>, vector<2000x128xf32>
    tpu.vector_store %arg4[%swap3A_11, %swap3A_12], %mul3A_10 {strides = array<i32>} : memref<2000x128xf32, #tpu.memory_space<vmem>>, vector<2000x128xf32>,
    return
  }
  func.func @transform_0(%arg0: i32) -> (i32, i32) {
    %c0_i32 = arith.constant 0 : i32
    %c0_i32_0 = arith.constant 0 : i32
    return %arg0, %c0_i32 : i32, i32
  }
  func.func @transform_1(%arg0: i32) -> (i32, i32) {
    %c0_i32 = arith.constant 0 : i32
    %c0_i32_0 = arith.constant 0 : i32
    return %arg0, %c0_i32 : i32, i32
  }
  func.func @transform_2(%arg0: i32) -> (i32, i32) {
    %c0_i32 = arith.constant 0 : i32
    %c0_i32_0 = arith.constant 0 : i32
    return %arg0, %c0_i32 : i32, i32
  }
  func.func @transform_3(%arg0: i32) -> (i32, i32) {
    %c0_i32 = arith.constant 0 : i32
    %c0_i32_0 = arith.constant 0 : i32
    return %arg0, %c0_i32 : i32, i32
  }
}

module attributes {stable_mosaic.version = 14 : i64} {
  func.func @_tc2_body(%arg0: i32, %arg1: i32, %arg2: memref<2000x128xf32, #tpu.memory_space<vmem>>, %arg3: memref<2000x128xf32, #tpu.memory_space<vmem>>, %arg4: memref<2000x128xf32, #tpu.memory_space<vmem>>, %arg5: memref<2000x1xf32, #tpu.memory_space<vmem>>, %arg6: memref<128x128xf32, #tpu.memory_space<vmem>>, %arg7: memref<1x128xf32, #tpu.memory_space<vmem>>, %arg8: memref<2000x128xf32, #tpu.memory_space<vmem>>) attributes {dimension_semantics = [#tpu.dimension_semantics<arbitrary>, #tpu.dimension_semantics<arbitrary>], iteration_bounds = array<i64: 2, 5>, scalar_prefetch = 0 : i64, scratch_operands = 0 : i64, tpu.core_type = #tpu.core_type<tc>, window_params = [{transform_indices = @transform_0, window_bounds = array<i64: 2000, 128>}, {transform_indices = @transform_1, window_bounds = array<i64: 2000, 128>}, {transform_indices = @transform_2, window_bounds = array<i64: 2000, 128>}, {transform_indices = @transform_3, window_bounds = array<i64: 2000, 1>}, {transform_indices = @transform_4, window_bounds = array<i64: 128, 128>}, {transform_indices = @transform_5, window_bounds = array<i64: 1, 128>}, {transform_indices = @transform_6, window_bounds = array<i64: 2000, 128>}]} {
    %get3A = arith.constant 0 : index
    %get3A_0 = arith.constant 0 : index
    %get3A_1 = vector.load %arg5[%get3A, %get3A_0] : memref<2000x1xf32, #tpu.memory_space<vmem>>, vector<2000x1xf32>
    %get3A_2 = arith.constant 0 : index
    %get3A_3 = arith.constant 0 : index
    %get3A_4 = vector.load %arg2[%get3A_2, %get3A_3] : memref<2000x128xf32, #tpu.memory_space<vmem>>, vector<2000x128xf32>
    %get3A_5 = arith.constant 0 : index
    %get3A_6 = arith.constant 0 : index
    %get3A_7 = vector.load %arg3[%get3A_5, %get3A_6] : memref<2000x128xf32, #tpu.memory_space<vmem>>, vector<2000x128xf32>
    %add3A = arith.addf %get3A_4, %get3A_7 : vector<2000x128xf32>
    %get3A_8 = arith.constant 0 : index
    %get3A_9 = arith.constant 0 : index
    %get3A_10 = vector.load %arg4[%get3A_8, %get3A_9] : memref<2000x128xf32, #tpu.memory_space<vmem>>, vector<2000x128xf32>
    %add3A_11 = arith.addf %add3A, %get3A_10 : vector<2000x128xf32>
    %mul3A = vector.broadcast %get3A_1 : vector<2000x1xf32> to vector<2000x128xf32>
    %mul3A_12 = arith.mulf %mul3A, %add3A_11 : vector<2000x128xf32>
    %get3A_13 = arith.constant 0 : index
    %get3A_14 = arith.constant 0 : index
    %get3A_15 = vector.load %arg6[%get3A_13, %get3A_14] : memref<128x128xf32, #tpu.memory_space<vmem>>, vector<128x128xf32>
    %dot_general3A = arith.constant dense<0.000000e+00> : vector<2000x128xf32>
    %dot_general3A_16 = tpu.matmul %mul3A_12, %get3A_15, %dot_general3A {dimension_numbers = #tpu.dot_dimension_numbers<[1], [0], [0], [1], [0, 0, 1, 1], [], []>, precision = #tpu.contract_precision<fp32>, transpose_lhs_hint = false} : vector<2000x128xf32>, vector<128x128xf32>, vector<2000x128xf32> -> vector<2000x128xf32>
    %get3A_17 = arith.constant 0 : index
    %get3A_18 = arith.constant 0 : index
    %get3A_19 = vector.load %arg7[%get3A_17, %get3A_18] : memref<1x128xf32, #tpu.memory_space<vmem>>, vector<1x128xf32>
    %add3A_20 = vector.broadcast %get3A_19 : vector<1x128xf32> to vector<2000x128xf32>
    %add3A_21 = arith.addf %dot_general3A_16, %add3A_20 : vector<2000x128xf32>
    %max3A = arith.constant 0.000000e+00 : f32
    %max3A_22 = vector.broadcast %max3A : f32 to vector<2000x128xf32>
    %max3A_23 = arith.maximumf %add3A_21, %max3A_22 : vector<2000x128xf32>
    %mul3A_24 = vector.broadcast %get3A_1 : vector<2000x1xf32> to vector<2000x128xf32>
    %mul3A_25 = arith.mulf %max3A_23, %mul3A_24 : vector<2000x128xf32>
    %swap3A = arith.constant 0 : index
    %swap3A_26 = arith.constant 0 : index
    %swap3A_27 = vector.load %arg8[%swap3A, %swap3A_26] : memref<2000x128xf32, #tpu.memory_space<vmem>>, vector<2000x128xf32>
    tpu.vector_store %arg8[%swap3A, %swap3A_26], %mul3A_25 {strides = array<i32>} : memref<2000x128xf32, #tpu.memory_space<vmem>>, vector<2000x128xf32>,
    return
  }
  func.func @transform_0(%arg0: i32, %arg1: i32) -> (i32, i32) {
    %c0_i32 = arith.constant 0 : i32
    %c0_i32_0 = arith.constant 0 : i32
    return %arg1, %c0_i32 : i32, i32
  }
  func.func @transform_1(%arg0: i32, %arg1: i32) -> (i32, i32) {
    %add3A = arith.constant 5 : i32
    %add3A_0 = arith.addi %add3A, %arg1 : i32
    %c0_i32 = arith.constant 0 : i32
    %c0_i32_1 = arith.constant 0 : i32
    return %add3A_0, %c0_i32 : i32, i32
  }
  func.func @transform_2(%arg0: i32, %arg1: i32) -> (i32, i32) {
    %c0_i32 = arith.constant 0 : i32
    %c0_i32_0 = arith.constant 0 : i32
    return %arg1, %c0_i32 : i32, i32
  }
  func.func @transform_3(%arg0: i32, %arg1: i32) -> (i32, i32) {
    %c0_i32 = arith.constant 0 : i32
    %c0_i32_0 = arith.constant 0 : i32
    return %arg1, %c0_i32 : i32, i32
  }
  func.func @transform_4(%arg0: i32, %arg1: i32) -> (i32, i32) {
    %c0_i32 = arith.constant 0 : i32
    %c0_i32_0 = arith.constant 0 : i32
    return %c0_i32, %arg0 : i32, i32
  }
  func.func @transform_5(%arg0: i32, %arg1: i32) -> (i32, i32) {
    %c0_i32 = arith.constant 0 : i32
    %c0_i32_0 = arith.constant 0 : i32
    return %c0_i32, %arg0 : i32, i32
  }
  func.func @transform_6(%arg0: i32, %arg1: i32) -> (i32, i32) {
    %mul3A = arith.constant 5 : i32
    %mul3A_0 = arith.muli %arg0, %mul3A : i32
    %add3A = arith.addi %mul3A_0, %arg1 : i32
    %c0_i32 = arith.constant 0 : i32
    %c0_i32_1 = arith.constant 0 : i32
    return %add3A, %c0_i32 : i32, i32
  }
}

module attributes {stable_mosaic.version = 14 : i64} {
  func.func @_tc3_body(%arg0: i32, %arg1: memref<2000x128xf32, #tpu.memory_space<vmem>>, %arg2: memref<2000x128xf32, #tpu.memory_space<vmem>>, %arg3: memref<2000x128xf32, #tpu.memory_space<vmem>>, %arg4: memref<2000x128xf32, #tpu.memory_space<vmem>>, %arg5: memref<2000x128xf32, #tpu.memory_space<vmem>>, %arg6: memref<2000x128xf32, #tpu.memory_space<vmem>>, %arg7: memref<2000x1xf32, #tpu.memory_space<vmem>>, %arg8: memref<256x128xf32, #tpu.memory_space<vmem>>, %arg9: memref<1x128xf32, #tpu.memory_space<vmem>>, %arg10: memref<256x128xf32, #tpu.memory_space<vmem>>, %arg11: memref<1x128xf32, #tpu.memory_space<vmem>>, %arg12: memref<2000x128xf32, #tpu.memory_space<vmem>>, %arg13: memref<2000x128xf32, #tpu.memory_space<vmem>>) attributes {dimension_semantics = [#tpu.dimension_semantics<arbitrary>], iteration_bounds = array<i64: 5>, scalar_prefetch = 0 : i64, scratch_operands = 0 : i64, tpu.core_type = #tpu.core_type<tc>, window_params = [{transform_indices = @transform_0, window_bounds = array<i64: 2000, 128>}, {transform_indices = @transform_1, window_bounds = array<i64: 2000, 128>}, {transform_indices = @transform_2, window_bounds = array<i64: 2000, 128>}, {transform_indices = @transform_3, window_bounds = array<i64: 2000, 128>}, {transform_indices = @transform_4, window_bounds = array<i64: 2000, 128>}, {transform_indices = @transform_5, window_bounds = array<i64: 2000, 128>}, {transform_indices = @transform_6, window_bounds = array<i64: 2000, 1>}, {pipeline_mode = #tpu.pipeline_mode<synchronous>, transform_indices = @transform_7, window_bounds = array<i64: 256, 128>}, {pipeline_mode = #tpu.pipeline_mode<synchronous>, transform_indices = @transform_8, window_bounds = array<i64: 1, 128>}, {pipeline_mode = #tpu.pipeline_mode<synchronous>, transform_indices = @transform_9, window_bounds = array<i64: 256, 128>}, {pipeline_mode = #tpu.pipeline_mode<synchronous>, transform_indices = @transform_10, window_bounds = array<i64: 1, 128>}, {transform_indices = @transform_11, window_bounds = array<i64: 2000, 128>}, {transform_indices = @transform_12, window_bounds = array<i64: 2000, 128>}]} {
    %get3A = arith.constant 0 : index
    %get3A_0 = arith.constant 0 : index
    %get3A_1 = vector.load %arg7[%get3A, %get3A_0] : memref<2000x1xf32, #tpu.memory_space<vmem>>, vector<2000x1xf32>
    %get3A_2 = arith.constant 0 : index
    %get3A_3 = arith.constant 0 : index
    %get3A_4 = vector.load %arg1[%get3A_2, %get3A_3] : memref<2000x128xf32, #tpu.memory_space<vmem>>, vector<2000x128xf32>
    %get3A_5 = arith.constant 0 : index
    %get3A_6 = arith.constant 0 : index
    %get3A_7 = vector.load %arg2[%get3A_5, %get3A_6] : memref<2000x128xf32, #tpu.memory_space<vmem>>, vector<2000x128xf32>
    %add3A = arith.addf %get3A_4, %get3A_7 : vector<2000x128xf32>
    %get3A_8 = arith.constant 0 : index
    %get3A_9 = arith.constant 0 : index
    %get3A_10 = vector.load %arg5[%get3A_8, %get3A_9] : memref<2000x128xf32, #tpu.memory_space<vmem>>, vector<2000x128xf32>
    %add3A_11 = arith.addf %add3A, %get3A_10 : vector<2000x128xf32>
    %mul3A = vector.broadcast %get3A_1 : vector<2000x1xf32> to vector<2000x128xf32>
    %mul3A_12 = arith.mulf %mul3A, %add3A_11 : vector<2000x128xf32>
    %get3A_13 = arith.constant 0 : index
    %get3A_14 = arith.constant 0 : index
    %get3A_15 = vector.load %arg3[%get3A_13, %get3A_14] : memref<2000x128xf32, #tpu.memory_space<vmem>>, vector<2000x128xf32>
    %get3A_16 = arith.constant 0 : index
    %get3A_17 = arith.constant 0 : index
    %get3A_18 = vector.load %arg4[%get3A_16, %get3A_17] : memref<2000x128xf32, #tpu.memory_space<vmem>>, vector<2000x128xf32>
    %add3A_19 = arith.addf %get3A_15, %get3A_18 : vector<2000x128xf32>
    %get3A_20 = arith.constant 0 : index
    %get3A_21 = arith.constant 0 : index
    %get3A_22 = vector.load %arg6[%get3A_20, %get3A_21] : memref<2000x128xf32, #tpu.memory_space<vmem>>, vector<2000x128xf32>
    %add3A_23 = arith.addf %add3A_19, %get3A_22 : vector<2000x128xf32>
    %mul3A_24 = vector.broadcast %get3A_1 : vector<2000x1xf32> to vector<2000x128xf32>
    %mul3A_25 = arith.mulf %mul3A_24, %add3A_23 : vector<2000x128xf32>
    %get3A_26 = arith.constant 0 : index
    %get3A_27 = arith.constant 0 : index
    %get3A_28 = vector.load %arg8[%get3A_26, %get3A_27] : memref<256x128xf32, #tpu.memory_space<vmem>>, vector<128x128xf32>
    %dot_general3A = arith.constant dense<0.000000e+00> : vector<2000x128xf32>
    %dot_general3A_29 = tpu.matmul %mul3A_12, %get3A_28, %dot_general3A {dimension_numbers = #tpu.dot_dimension_numbers<[1], [0], [0], [1], [0, 0, 1, 1], [], []>, precision = #tpu.contract_precision<fp32>, transpose_lhs_hint = false} : vector<2000x128xf32>, vector<128x128xf32>, vector<2000x128xf32> -> vector<2000x128xf32>
    %get3A_30 = arith.constant 128 : index
    %get3A_31 = arith.constant 0 : index
    %get3A_32 = vector.load %arg8[%get3A_30, %get3A_31] : memref<256x128xf32, #tpu.memory_space<vmem>>, vector<128x128xf32>
    %dot_general3A_33 = arith.constant dense<0.000000e+00> : vector<2000x128xf32>
    %dot_general3A_34 = tpu.matmul %mul3A_25, %get3A_32, %dot_general3A_33 {dimension_numbers = #tpu.dot_dimension_numbers<[1], [0], [0], [1], [0, 0, 1, 1], [], []>, precision = #tpu.contract_precision<fp32>, transpose_lhs_hint = false} : vector<2000x128xf32>, vector<128x128xf32>, vector<2000x128xf32> -> vector<2000x128xf32>
    %add3A_35 = arith.addf %dot_general3A_29, %dot_general3A_34 : vector<2000x128xf32>
    %get3A_36 = arith.constant 0 : index
    %get3A_37 = arith.constant 0 : index
    %get3A_38 = vector.load %arg9[%get3A_36, %get3A_37] : memref<1x128xf32, #tpu.memory_space<vmem>>, vector<1x128xf32>
    %add3A_39 = vector.broadcast %get3A_38 : vector<1x128xf32> to vector<2000x128xf32>
    %add3A_40 = arith.addf %add3A_35, %add3A_39 : vector<2000x128xf32>
    %swap3A = arith.constant 0 : index
    %swap3A_41 = arith.constant 0 : index
    %swap3A_42 = vector.load %arg12[%swap3A, %swap3A_41] : memref<2000x128xf32, #tpu.memory_space<vmem>>, vector<2000x128xf32>
    tpu.vector_store %arg12[%swap3A, %swap3A_41], %add3A_40 {strides = array<i32>} : memref<2000x128xf32, #tpu.memory_space<vmem>>, vector<2000x128xf32>,
    %get3A_43 = arith.constant 0 : index
    %get3A_44 = arith.constant 0 : index
    %get3A_45 = vector.load %arg10[%get3A_43, %get3A_44] : memref<256x128xf32, #tpu.memory_space<vmem>>, vector<128x128xf32>
    %dot_general3A_46 = arith.constant dense<0.000000e+00> : vector<2000x128xf32>
    %dot_general3A_47 = tpu.matmul %mul3A_12, %get3A_45, %dot_general3A_46 {dimension_numbers = #tpu.dot_dimension_numbers<[1], [0], [0], [1], [0, 0, 1, 1], [], []>, precision = #tpu.contract_precision<fp32>, transpose_lhs_hint = false} : vector<2000x128xf32>, vector<128x128xf32>, vector<2000x128xf32> -> vector<2000x128xf32>
    %get3A_48 = arith.constant 128 : index
    %get3A_49 = arith.constant 0 : index
    %get3A_50 = vector.load %arg10[%get3A_48, %get3A_49] : memref<256x128xf32, #tpu.memory_space<vmem>>, vector<128x128xf32>
    %dot_general3A_51 = arith.constant dense<0.000000e+00> : vector<2000x128xf32>
    %dot_general3A_52 = tpu.matmul %mul3A_25, %get3A_50, %dot_general3A_51 {dimension_numbers = #tpu.dot_dimension_numbers<[1], [0], [0], [1], [0, 0, 1, 1], [], []>, precision = #tpu.contract_precision<fp32>, transpose_lhs_hint = false} : vector<2000x128xf32>, vector<128x128xf32>, vector<2000x128xf32> -> vector<2000x128xf32>
    %add3A_53 = arith.addf %dot_general3A_47, %dot_general3A_52 : vector<2000x128xf32>
    %get3A_54 = arith.constant 0 : index
    %get3A_55 = arith.constant 0 : index
    %get3A_56 = vector.load %arg11[%get3A_54, %get3A_55] : memref<1x128xf32, #tpu.memory_space<vmem>>, vector<1x128xf32>
    %add3A_57 = vector.broadcast %get3A_56 : vector<1x128xf32> to vector<2000x128xf32>
    %add3A_58 = arith.addf %add3A_53, %add3A_57 : vector<2000x128xf32>
    %swap3A_59 = arith.constant 0 : index
    %swap3A_60 = arith.constant 0 : index
    %swap3A_61 = vector.load %arg13[%swap3A_59, %swap3A_60] : memref<2000x128xf32, #tpu.memory_space<vmem>>, vector<2000x128xf32>
    tpu.vector_store %arg13[%swap3A_59, %swap3A_60], %add3A_58 {strides = array<i32>} : memref<2000x128xf32, #tpu.memory_space<vmem>>, vector<2000x128xf32>,
    return
  }
  func.func @transform_0(%arg0: i32) -> (i32, i32) {
    %add3A = arith.constant 0 : i32
    %add3A_0 = arith.addi %add3A, %arg0 : i32
    %c0_i32 = arith.constant 0 : i32
    %c0_i32_1 = arith.constant 0 : i32
    return %add3A_0, %c0_i32 : i32, i32
  }
  func.func @transform_1(%arg0: i32) -> (i32, i32) {
    %add3A = arith.constant 5 : i32
    %add3A_0 = arith.addi %add3A, %arg0 : i32
    %c0_i32 = arith.constant 0 : i32
    %c0_i32_1 = arith.constant 0 : i32
    return %add3A_0, %c0_i32 : i32, i32
  }
  func.func @transform_2(%arg0: i32) -> (i32, i32) {
    %add3A = arith.constant 0 : i32
    %add3A_0 = arith.addi %add3A, %arg0 : i32
    %c0_i32 = arith.constant 0 : i32
    %c0_i32_1 = arith.constant 0 : i32
    return %add3A_0, %c0_i32 : i32, i32
  }
  func.func @transform_3(%arg0: i32) -> (i32, i32) {
    %add3A = arith.constant 5 : i32
    %add3A_0 = arith.addi %add3A, %arg0 : i32
    %c0_i32 = arith.constant 0 : i32
    %c0_i32_1 = arith.constant 0 : i32
    return %add3A_0, %c0_i32 : i32, i32
  }
  func.func @transform_4(%arg0: i32) -> (i32, i32) {
    %add3A = arith.constant 0 : i32
    %add3A_0 = arith.addi %add3A, %arg0 : i32
    %c0_i32 = arith.constant 0 : i32
    %c0_i32_1 = arith.constant 0 : i32
    return %add3A_0, %c0_i32 : i32, i32
  }
  func.func @transform_5(%arg0: i32) -> (i32, i32) {
    %add3A = arith.constant 5 : i32
    %add3A_0 = arith.addi %add3A, %arg0 : i32
    %c0_i32 = arith.constant 0 : i32
    %c0_i32_1 = arith.constant 0 : i32
    return %add3A_0, %c0_i32 : i32, i32
  }
  func.func @transform_6(%arg0: i32) -> (i32, i32) {
    %c0_i32 = arith.constant 0 : i32
    %c0_i32_0 = arith.constant 0 : i32
    return %arg0, %c0_i32 : i32, i32
  }
  func.func @transform_7(%arg0: i32) -> (i32, i32) {
    %c0_i32 = arith.constant 0 : i32
    %c0_i32_0 = arith.constant 0 : i32
    %c0_i32_1 = arith.constant 0 : i32
    return %c0_i32, %c0_i32_0 : i32, i32
  }
  func.func @transform_8(%arg0: i32) -> (i32, i32) {
    %c0_i32 = arith.constant 0 : i32
    %c0_i32_0 = arith.constant 0 : i32
    %c0_i32_1 = arith.constant 0 : i32
    return %c0_i32, %c0_i32_0 : i32, i32
  }
  func.func @transform_9(%arg0: i32) -> (i32, i32) {
    %c0_i32 = arith.constant 0 : i32
    %c0_i32_0 = arith.constant 0 : i32
    %c0_i32_1 = arith.constant 0 : i32
    return %c0_i32, %c0_i32_0 : i32, i32
  }
  func.func @transform_10(%arg0: i32) -> (i32, i32) {
    %c0_i32 = arith.constant 0 : i32
    %c0_i32_0 = arith.constant 0 : i32
    %c0_i32_1 = arith.constant 0 : i32
    return %c0_i32, %c0_i32_0 : i32, i32
  }
  func.func @transform_11(%arg0: i32) -> (i32, i32) {
    %c0_i32 = arith.constant 0 : i32
    %c0_i32_0 = arith.constant 0 : i32
    return %arg0, %c0_i32 : i32, i32
  }
  func.func @transform_12(%arg0: i32) -> (i32, i32) {
    %c0_i32 = arith.constant 0 : i32
    %c0_i32_0 = arith.constant 0 : i32
    return %arg0, %c0_i32 : i32, i32
  }
}

</mosaic_0001>

<sc_bundles>
// kernel: _run.5.cloned.1.call-start
scs
__scs_entry_jumppad:
0x0: {  	(pc) =	sbr.rel $0x88, $3  }
0x1: {  	(tag) =	ssettag $0x0;
	lr =	simm.s32 $0x1  }
0x2: {  	[smem:$0x3F99] =	sst lr;
	_ =	strace $0xD0000000  }
0x3: {  	_ = 	snop  }
0x4: {  	_ = 	snop  }
0x5: {  	_ = 	snop  }
0x6: {  	_ = 	snop  }
0x7: {  	_ = 	snop  }
__scs_overlays_trampoline_lowered:
0x8: {  	[smem:$0x3FA8] =	sst s0  }
0x9: {  	[smem:$0x3FA9] =	sst s1  }
0xa: {  	[smem:$0x3FAA] =	sst s2  }
0xb: {  	[smem:$0x3FAB] =	sst s3  }
0xc: {  	[smem:$0x3FAC] =	sst s4  }
0xd: {  	[smem:$0x3FAD] =	sst s5  }
0xe: {  	[smem:$0x3FAE] =	sst s6  }
0xf: {  	[smem:$0x3FAF] =	sst s7  }
0x10: {  	[smem:$0x3FB0] =	sst s8  }
0x11: {  	[smem:$0x3FB1] =	sst s9;
	s0 =	simm.s32 @!p0 $0x0  }
0x12: {  	s1 =	sld [smem:$0x3F97];
	s0 =	simm.s32 @p0 $0x1  }
0x13: {  	[smem:$0x3FB2] =	sst s0;
	s0 =	simm.s32 @!p1 $0x0  }
0x14: {  	s2 =	sld [smem:$0x3F96];
	s0 =	simm.s32 @p1 $0x1  }
0x15: {  	[smem:$0x3FB3] =	sst s0;
	s0 =	simm.s32 @!p2 $0x0  }
0x16: {  	s3 =	sld [smem:$0x3FDB];
	s0 =	simm.s32 @p2 $0x1  }
0x17: {  	s4 =	simm.s32 $0x1BF5;
	[smem:$0x3FB5] =	sst s0  }
0x18: {  	s0 =	sld [smem:$0x3F98];
	_ =	swait.ge [sflag:s4], $0x0  }
0x19: {  	s7 =	sld [smem:$0x3F99]  }
0x1a: {  	s8 =	sadd.s32 $0xFFFFE003, lr  }
0x1b: {  	s9 =	sadd.s32 $0xFFFFFEF7, lr;
	s5 =	simm.s32 $0xFFFFFFFF;
	p2 =	slt.u32 s8, $0xFFFFF086  }
0x1c: {  	p1 =	slt.u32 s9, $0xF7A;
	s5 =	simm.s32 @!p2 $0x0  }
0x1d: {  	s5 =	simm.s32 @p1 $0x1;
	p0 =	seq.s32 s7, s2  }
0x1e: {  	s7 =	smul.u32 @!p0 $0xF7A, s2;
	p2 =	seq.s32 @!p0 s5, $0x0  }
0x1f: {  	s9 =	smul.u32 $0xF7A, s1;
	s8 =	simm.s32 @!p0 $0x1BF5;
	p2 =	por !p2, p0  }
0x20: {  	[sflag:s8] =	ssyncset.s32 @!p0 $0xFFFFF086;
	s6 =	sadd.s32 @!p0 s3, s7;
	s7 =	simm.s32 @!p0 $0x108  }
0x21: {  	s3 =	sadd.s32 s3, s9;
	s6 =	sadd.s32 @!p0 $0x88, s6;
	s7 =	simm.s32 @p2 $0x1082  }
0x22: {  	[simem:s7], [sflag:s8] =	dma.local @!p0 [hbm:s6], $0xF7A  }
0x23: {  	s9 =	sor.u32 $0xD0000000, s2;
	s6 =	simm.s32 $0x108;
	_ =	swait.ge @!p0 [sflag:s8], $0x0  }
0x24: {  	s3 =	sadd.s32 $0x88, s3;
	s6 =	simm.s32 @!p1 $0x1082;
	[sflag:s4] =	ssyncset.s32 $0xFFFFF086  }
0x25: {  	[simem:s6], [sflag:s4] =	dma.local [hbm:s3], $0xF7A  }
0x26: {  	[smem:$0x3F99] =	sst s1;
	(tag) =	ssettag s2;
	_ =	strace s9  }
0x27: {  	s1 =	sld [smem:$0x3FA9]  }
0x28: {  	s2 =	sld [smem:$0x3FAA]  }
0x29: {  	s4 =	sld [smem:$0x3FAC]  }
0x2a: {  	p0 =	seq.s32 s5, $0x0;
	s5 =	sld [smem:$0x3FAD]  }
0x2b: {  	s6 =	sld [smem:$0x3FAE]  }
0x2c: {  	s7 =	sld [smem:$0x3FAF]  }
0x2d: {  	s3 =	simm.s32 $0x108;
	s8 =	sld [smem:$0x3FB0]  }
0x2e: {  	s3 =	simm.s32 @!p0 $0x1082;
	s9 =	sld [smem:$0x3FB1]  }
0x2f: {  	lr =	sadd.s32 s0, s3;
	s0 =	sld [smem:$0x3FA8]  }
0x30: {  	s3 =	sld [smem:$0x3FAB]  }
0x31: {  	[smem:$0x3FB4] =	sst s10  }
0x32: {  	s10 =	sld [smem:$0x3FB2];
	_ =	sdelay $0x3  }
0x33: {  	p0 =	seq.s32 s10, $0x1;
	s10 =	sld [smem:$0x3FB4];
	_ =	sdelay $0x3  }
0x34: {  	[smem:$0x3FB4] =	sst s10  }
0x35: {  	s10 =	sld [smem:$0x3FB3];
	_ =	sdelay $0x3  }
0x36: {  	p1 =	seq.s32 s10, $0x1;
	s10 =	sld [smem:$0x3FB4];
	_ =	sdelay $0x3  }
0x37: {  	[smem:$0x3FB4] =	sst s10  }
0x38: {  	s10 =	sld [smem:$0x3FB5]  }
0x39: {  	_ = 	snop;
	(pc) =	sbr.ind lr, $3  }
0x3a: {  	_ = 	snop  }
0x3b: {  	_ = 	snop  }
0x3c: {  	p2 =	seq.s32 s10, $0x1;
	s10 =	sld [smem:$0x3FB4]  }
0x3d: {  	_ =	shalt  }
0x3e: {  	_ =	shalt  }
0x3f: {  	_ =	shalt  }
0x40: {  	_ =	shalt  }
0x41: {  	_ =	shalt  }
0x42: {  	_ =	shalt  }
0x43: {  	_ =	shalt  }
0x44: {  	_ =	shalt  }
0x45: {  	_ =	shalt  }
0x46: {  	_ =	shalt  }
0x47: {  	_ =	shalt  }
0x48: {  	_ =	shalt  }
0x49: {  	_ =	shalt  }
0x4a: {  	_ =	shalt  }
0x4b: {  	_ =	shalt  }
0x4c: {  	_ =	shalt  }
0x4d: {  	_ =	shalt  }
0x4e: {  	_ =	shalt  }
0x4f: {  	_ =	shalt  }
0x50: {  	_ =	shalt  }
0x51: {  	_ =	shalt  }
0x52: {  	_ =	shalt  }
0x53: {  	_ =	shalt  }
0x54: {  	_ =	shalt  }
0x55: {  	_ =	shalt  }
0x56: {  	_ =	shalt  }
0x57: {  	_ =	shalt  }
0x58: {  	_ =	shalt  }
0x59: {  	_ =	shalt  }
0x5a: {  	_ =	shalt  }
0x5b: {  	_ =	shalt  }
0x5c: {  	_ =	shalt  }
0x5d: {  	_ =	shalt  }
0x5e: {  	_ =	shalt  }
0x5f: {  	_ =	shalt  }
0x60: {  	_ =	shalt  }
0x61: {  	_ =	shalt  }
0x62: {  	_ =	shalt  }
0x63: {  	_ =	shalt  }
0x64: {  	_ =	shalt  }
0x65: {  	_ =	shalt  }
0x66: {  	_ =	shalt  }
0x67: {  	_ =	shalt  }
0x68: {  	_ =	shalt  }
0x69: {  	_ =	shalt  }
0x6a: {  	_ =	shalt  }
0x6b: {  	_ =	shalt  }
0x6c: {  	_ =	shalt  }
0x6d: {  	_ =	shalt  }
0x6e: {  	_ =	shalt  }
0x6f: {  	_ =	shalt  }
0x70: {  	_ =	shalt  }
0x71: {  	_ =	shalt  }
0x72: {  	_ =	shalt  }
0x73: {  	_ =	shalt  }
0x74: {  	_ =	shalt  }
0x75: {  	_ =	shalt  }
0x76: {  	_ =	shalt  }
0x77: {  	_ =	shalt  }
0x78: {  	_ =	shalt  }
0x79: {  	_ =	shalt  }
0x7a: {  	_ =	shalt  }
0x7b: {  	_ =	shalt  }
0x7c: {  	_ =	shalt  }
0x7d: {  	_ =	shalt  }
0x7e: {  	_ =	shalt  }
0x7f: {  	_ =	shalt  }
0x80: {  	_ =	shalt  }
0x81: {  	_ =	shalt  }
0x82: {  	_ =	shalt  }
0x83: {  	_ =	shalt  }
0x84: {  	_ =	shalt  }
0x85: {  	_ =	shalt  }
0x86: {  	_ =	shalt  }
0x87: {  	_ =	shalt  }
.Lfunc_end0:
.L_simem_size_0:
called_computation.1_lowered:
.L_overlay_start_0:
0x88: {  	s2 =	sld [smem:$0x3FD9]  }
0x89: {  	s3 =	sld [smem:$0x3FFE];
	_ =	sdelay $0x1  }
0x8a: {  	s1 =	srdreg.scid  }
0x8b: {  	s0 =	sand.u32 $0x1, s1  }
0x8c: {  	s14 =	sshll.u32 s0, $0xA;
	s2 =	sadd.s32 s3, s2  }
0x8d: {  	s2 =	sadd.s32 s2, s14  }
0x8e: {  	[smem:$0x3FC0] =	sst s2  }
0x8f: {  	_ = 	snop  }
0x90: {  	s2 =	sld [smem:$0x3FD0];
	_ =	sdelay $0x2  }
0x91: {  	s15 =	simm.s32 $0xA;
	s4 =	simm.s32 $0x10  }
0x92: {  	[smem:s4], [sflag:s15] =	dma.local [hbm:s2], $0x1  }
0x93: {  	_ =	swait.eq [sflag:s15], $0x1  }
0x94: {  	[sflag:s15] =	ssyncset.done $0x0  }
0x95: {  	[sflag:s15] =	ssyncadd.s32 $0xFFFFFFFF  }
0x96: {  	s16 =	sld [smem:$0x10];
	(tm) =	ssettm $0x1  }
0x97: {  	s17 =	sld [smem:$0x3FFB];
	_ =	sdelay $0x3  }
0x98: {  	_ =	strace s17  }
0x99: {  	s3 =	sld [smem:$0x3FFC];
	_ =	sdelay $0x3  }
0x9a: {  	_ =	strace s3  }
0x9b: {  	s3 =	sld [smem:$0x3FFD];
	_ =	sdelay $0x3  }
0x9c: {  	_ =	strace s3  }
0x9d: {  	_ =	strace $0x8FFFFFFF  }
0x9e: {  	s18 =	sld [smem:$0x3FDB];
	_ =	sdelay $0x1  }
0x9f: {  	s19 =	simm.s32 $_scs_section_size  }
0xa0: {  	s5 =	simm.s32 $_size__tile_overlayer_lowered;
	s6 =	simm.s32 $_tile_overlayer_lowered  }
0xa1: {  	s22 =	simm.s32 $0x1BFF;
	s21 =	sshll.u32 s6, $0x1;
	s3 =	sadd.s32 s19, s18  }
0xa2: {  	s7 =	simm.s32 $0x0;
	s20 =	sshll.u32 s5, $0x1;
	s5 =	sadd.s32 s21, s3  }
0xa3: {  	[timem:s7], [sflag:s22] =	dma.local [hbm:s5], s20  }
0xa4: {  	_ =	swait.ge [sflag:s22], s20  }
0xa5: {  	s4 =	ssub.s32 $0x0, s20;
	[sflag:s22] =	ssyncset.done $0x0  }
0xa6: {  	[sflag:s22] =	ssyncadd.s32 s4;
	_ =	sdelay $0x1  }
0xa7: {  	s23 =	simm.s32 $0x1B8B  }
0xa8: {  	_ =	swait.ge [sflag:s23], $0x1  }
0xa9: {  	[sflag:s23] =	ssyncset.done $0x0  }
0xaa: {  	s25 =	simm.s32 $0x1B8E;
	s24 =	sld [smem:$0x3FFE];
	[sflag:s23] =	ssyncadd.s32 $0xFFFFFFFF  }
0xab: {  	s26 =	simm.s32 $execute0_lowered;
	[smem:$0x3FD2] =	sst s25  }
0xac: {  	s5 =	sshll.u32 s26, $0x1;
	_ =	strace $0x80000046;
	[dreg:$0x1] =	wrdreg $0xFFFFFFFF  }
0xad: {  	s28 =	simm.s32 $_size_execute0_lowered;
	s3 =	sadd.s32 s3, s5;
	[dreg:$0x0] =	wrdreg $0x0  }
0xae: {  	s5 =	sshll.u32 s28, $0x1;
	[dreg:$0x2] =	wrdreg s3  }
0xaf: {  	[dreg:$0x3] =	wrdreg s5  }
0xb0: {  	[dreg:$0x4] =	wrdreg $0xC0  }
0xb1: {  	_ =	task [dreg:s7], $0x5FFFF  }
0xb2: {  	[dreg:$0x1] =	wrdreg $0xFFFFFFFF  }
0xb3: {  	[dreg:$0x0] =	wrdreg $0x60  }
0xb4: {  	[dreg:$0x2] =	wrdreg s16  }
0xb5: {  	[dreg:$0x3] =	wrdreg s24  }
0xb6: {  	[dreg:$0x4] =	wrdreg $0x9  }
0xb7: {  	_ =	task.clear_ibuf [dreg:s7], $0x5FFFF;
	_ =	strace $0x90000046  }
0xb8: {  	s29 =	simm.s32 $0x9;
	_ =	strace $0x80000048  }
0xb9: {  	_ =	swait.ge [sflag:s29], $0x1  }
0xba: {  	[sflag:s29] =	ssyncadd.s32 $0xFFFFFFFF  }
0xbb: {  	_ =	strace $0x90000048  }
0xbc: {  	_ =	sfence  }
0xbd: {  	s30 =	sld [smem:$0x0];
	_ =	sdelay $0x2  }
0xbe: {  	s31 =	sshll.u32 s1, $0xD;
	s1 =	sshrl.u32 s1, $0x2  }
0xbf: {  	s3 =	sand.u32 $0x4000, s31;
	s1 =	sadd.s32 s1, s30  }
0xc0: {  	s0 =	sor.u32 s3, s0;
	s1 =	sshll.u32 s1, $0x11  }
0xc1: {  	s0 =	sor.u32 s1, s0  }
0xc2: {  	s0 =	sadd.s32 $0x8F2B, s0  }
0xc3: {  	[sflag:s0] =	ssyncadd.remote.s32 $0x1  }
0xc4: {  	_ =	sfence.sel $0xFFFF  }
0xc5: {  	[dreg:$0x0] =	wrdreg $0xFFFFFFFF;
	(pc) =	sbr.abs _section_cstart, $3  }
0xc6: {  	[dreg:$0x1] =	wrdreg $0xFFFFFFFF  }
0xc7: {  	_ =	task.clear_ibuf [dreg:s7], $0x2FFFF;
	_ =	strace $0x9FFFFFFF  }
0xc8: {  	(tm) =	ssettm $0x7FFFFFFF  }
0xc9: {  	_ =	shalt  }
tec
execute0_lowered:
.L_overlay_start_1:
0x0: {  	(tag) =	ssettag $0x1  }
0x1: {  	s0 =	srdreg.scid  }
0x2: {  	s3 =	sand.u32 $0x1, s0  }
0x3: {  	s0 =	stileid.u32;
	s1 =	sshll.u32 s3, $0x4  }
0x4: {  	s5 =	rddreg [dreg:$0x0];
	s4 =	sor.u32 s0, s1  }
0x5: {  	s6 =	rddreg [dreg:$0x1];
	s2 =	simm.s32 $0x0;
	s1 =	sshrl.u32 s4, $0x3  }
0x6: {  	s9 =	simm.s32 $0x400;
	s8 =	sshll.u32 s0, $0x7;
	s7 =	smul.u32 $0x13C00, s1  }
0x7: {  	s10 =	simm.s32 $0x0;
	s3 =	ssub.s32 $0x2, s3;
	s8 =	sand.u32 $0x380, s8  }
0x8: {  	[smem:$0x7FF] =	sst s2;
	s31 =	sshrl.u32 s3, $0x1;
	s7 =	sor.u32 s8, s7  }
0x9: {  	s4 =	sshll.u32 s4, $0xB;
	s1 =	rddreg [dreg:$0x2];
	s7 =	sshrl.u32 s7, $0x3  }
0xa: {  	_ =	strace $0x80000047;
	s8 =	simm.s32 $0x80;
	s6 =	sadd.s32 s7, s6  }
0xb: {  	s7 =	ssub.s32 s3, s31;
	s3 =	sadd.s32 s5, s4;
	s4 =	sadd.s32 $0x1A00, s6  }
0xc: {  	v0 =	vimm.f32 $0.0e+00;
	v1 =	vimm.f32 $1.000000000e+00;
	s5 =	smax.u32 s7, $0x1;
	s6 =	simm.s32 $0x1;
	s7 =	simm.s32 $0x4000  }
.LBB2_1:
0xd: {  	[tilespmem:s2], [sflag:$0x1] =	stream.linear.gather [hbm4b:s3+s2], $0x3E80, $0x38;
	[tilespmem:$0x6780] =	vst v63  }
0xe: {  	_ =	swait.ge [sflag:s6], $0x3E80  }
0xf: {  	[sflag:s6] =	ssyncset.done $0x0  }
0x10: {  	s11 =	simm.s32 $0x0;
	[sflag:s6] =	ssyncadd.s32 $0xFFFFC180  }
.LBB2_2:
0x11: {  	p0 =	sne.s32 s11, $0x9C00  }
.Ltmp0:
0x12: {  	_ = 	snop;
	(pc) =	sbr.rel @p0 .LBB2_2-.Ltmp0, $3  }
0x13: {  	_ =	sdelay $0x1  }
0x14: {  	s12 =	sshra.s32 s11, $0x2  }
0x15: {  	s11 =	sadd.s32 $0x40, s11;
	[tilespmem:s12+$0x4000] =	vst v0  }
0x16: {  	s11 =	simm.s32 $0x0  }
.LBB2_4:
0x17: {  	s12 =	sshra.s32 s11, $0x2  }
0x18: {  	v2 =	vld [tilespmem:s12+$0x0];
	_ =	sdelay $0x7  }
0x19: {  	[tilespmem:v2+s7+$0x0] =	vst.idx.add.f32.msk $0xffff, v1  }
0x1a: {  	v2 =	vld [tilespmem:s12+$0x10];
	_ =	sdelay $0x7  }
0x1b: {  	[tilespmem:v2+s7+$0x0] =	vst.idx.add.f32.msk $0xffff, v1  }
0x1c: {  	v2 =	vld [tilespmem:s12+$0x20];
	_ =	sdelay $0x7  }
0x1d: {  	[tilespmem:v2+s7+$0x0] =	vst.idx.add.f32.msk $0xffff, v1  }
0x1e: {  	v2 =	vld [tilespmem:s12+$0x30];
	_ =	sdelay $0x7  }
0x1f: {  	[tilespmem:v2+s7+$0x0] =	vst.idx.add.f32.msk $0xffff, v1  }
0x20: {  	v2 =	vld [tilespmem:s12+$0x40];
	_ =	sdelay $0x2  }
0x21: {  	p0 =	sne.s32 s11, $0xF800  }
.Ltmp1:
0x22: {  	_ = 	snop;
	(pc) =	sbr.rel @p0 .LBB2_4-.Ltmp1, $2  }
0x23: {  	_ =	sdelay $0x2  }
0x24: {  	s11 =	sadd.s32 $0x200, s11;
	[tilespmem:v2+s7+$0x0] =	vst.idx.add.f32.msk $0xffff, v1  }
0x25: {  	s10 =	sadd.s32 $0x1, s10  }
0x26: {  	p0 =	sne.s32 s10, s5  }
.Ltmp2:
0x27: {  	_ = 	snop;
	(pc) =	sbr.rel @p0 .LBB2_1-.Ltmp2, $4  }
0x28: {  	[hbm4b:s4+s8] =	stream.strided.scatter [tilespmem:s7], [sflag:$0x1], $0x2780, s9, s8, $0x38;
	[tilespmem:$0x6780] =	vst v63  }
0x29: {  	_ =	swait.ge [sflag:s6], $0x2780  }
0x2a: {  	[sflag:s6] =	ssyncset.done $0x0  }
0x2b: {  	[sflag:s6] =	ssyncadd.s32 $0xFFFFD880  }
0x2c: {  	_ =	sfence.sel $0x180000  }
0x2d: {  	[bflag:$0x0] =	sbarrier.arrive $0xFFFF  }
0x2e: {  	p0 =	sne.s32 s0, $0x0;
	_ =	strace $0x90000047  }
0x2f: {  	s0 =	sadd.s32 @!p0 $0x100000, s1;
	[bflag:$0x2] =	sbarrier.arrive $0xFFFF  }
0x30: {  	[sflag:s0] =	ssyncadd.tile.s32 @!p0 $0x1;
	_ =	shalt  }
.Lfunc_end2:
_tile_overlayer_lowered:
.L_overlay_start_2:
0x31: {  	(tag) =	ssettag $0x2  }
0x32: {  	s0 =	rddreg [dreg:$0x0];
	s2 =	stileid.u32  }
0x33: {  	s1 =	rddreg [dreg:$0x1];
	p0 =	sne.s32 s2, $0x0  }
0x34: {  	s3 =	rddreg [dreg:$0x2];
	[bflag:$0x3] =	sbarrier.arrive $0xFFFF;
	s2 =	simm.s32 @!p0 $0x1C01  }
0x35: {  	[timem:s3], [sflag:s2] =	dma.local @!p0 [hbm:s0], s1  }
0x36: {  	s0 =	simm.s32 @!p0 $0x1  }
0x37: {  	_ =	swait.ge @!p0 [sflag:s0], s1  }
0x38: {  	s1 =	ssub.s32 @!p0 $0x0, s1;
	[sflag:s0] =	ssyncset.done @!p0 $0x0  }
0x39: {  	[sflag:s0] =	ssyncadd.s32 @!p0 s1  }
0x3a: {  	[bflag:$0x3] =	sbarrier.arrive $0xFFFF  }
0x3b: {  	_ =	shalt  }

// kernel: body.5.cloned.1.call-start
scs
__scs_entry_jumppad:
0x0: {  	(pc) =	sbr.rel $0x88, $3  }
0x1: {  	(tag) =	ssettag $0x0;
	lr =	simm.s32 $0x1  }
0x2: {  	[smem:$0x3F99] =	sst lr;
	_ =	strace $0xD0000000  }
0x3: {  	_ = 	snop  }
0x4: {  	_ = 	snop  }
0x5: {  	_ = 	snop  }
0x6: {  	_ = 	snop  }
0x7: {  	_ = 	snop  }
__scs_overlays_trampoline_lowered:
0x8: {  	[smem:$0x3FA8] =	sst s0  }
0x9: {  	[smem:$0x3FA9] =	sst s1  }
0xa: {  	[smem:$0x3FAA] =	sst s2  }
0xb: {  	[smem:$0x3FAB] =	sst s3  }
0xc: {  	[smem:$0x3FAC] =	sst s4  }
0xd: {  	[smem:$0x3FAD] =	sst s5  }
0xe: {  	[smem:$0x3FAE] =	sst s6  }
0xf: {  	[smem:$0x3FAF] =	sst s7  }
0x10: {  	[smem:$0x3FB0] =	sst s8  }
0x11: {  	[smem:$0x3FB1] =	sst s9;
	s0 =	simm.s32 @!p0 $0x0  }
0x12: {  	s1 =	sld [smem:$0x3F97];
	s0 =	simm.s32 @p0 $0x1  }
0x13: {  	[smem:$0x3FB2] =	sst s0;
	s0 =	simm.s32 @!p1 $0x0  }
0x14: {  	s2 =	sld [smem:$0x3F96];
	s0 =	simm.s32 @p1 $0x1  }
0x15: {  	[smem:$0x3FB3] =	sst s0;
	s0 =	simm.s32 @!p2 $0x0  }
0x16: {  	s3 =	sld [smem:$0x3FDB];
	s0 =	simm.s32 @p2 $0x1  }
0x17: {  	s4 =	simm.s32 $0x1BF5;
	[smem:$0x3FB5] =	sst s0  }
0x18: {  	s0 =	sld [smem:$0x3F98];
	_ =	swait.ge [sflag:s4], $0x0  }
0x19: {  	s7 =	sld [smem:$0x3F99]  }
0x1a: {  	s8 =	sadd.s32 $0xFFFFE003, lr  }
0x1b: {  	s9 =	sadd.s32 $0xFFFFFEF7, lr;
	s5 =	simm.s32 $0xFFFFFFFF;
	p2 =	slt.u32 s8, $0xFFFFF086  }
0x1c: {  	p1 =	slt.u32 s9, $0xF7A;
	s5 =	simm.s32 @!p2 $0x0  }
0x1d: {  	s5 =	simm.s32 @p1 $0x1;
	p0 =	seq.s32 s7, s2  }
0x1e: {  	s7 =	smul.u32 @!p0 $0xF7A, s2;
	p2 =	seq.s32 @!p0 s5, $0x0  }
0x1f: {  	s9 =	smul.u32 $0xF7A, s1;
	s8 =	simm.s32 @!p0 $0x1BF5;
	p2 =	por !p2, p0  }
0x20: {  	[sflag:s8] =	ssyncset.s32 @!p0 $0xFFFFF086;
	s6 =	sadd.s32 @!p0 s3, s7;
	s7 =	simm.s32 @!p0 $0x108  }
0x21: {  	s3 =	sadd.s32 s3, s9;
	s6 =	sadd.s32 @!p0 $0x88, s6;
	s7 =	simm.s32 @p2 $0x1082  }
0x22: {  	[simem:s7], [sflag:s8] =	dma.local @!p0 [hbm:s6], $0xF7A  }
0x23: {  	s9 =	sor.u32 $0xD0000000, s2;
	s6 =	simm.s32 $0x108;
	_ =	swait.ge @!p0 [sflag:s8], $0x0  }
0x24: {  	s3 =	sadd.s32 $0x88, s3;
	s6 =	simm.s32 @!p1 $0x1082;
	[sflag:s4] =	ssyncset.s32 $0xFFFFF086  }
0x25: {  	[simem:s6], [sflag:s4] =	dma.local [hbm:s3], $0xF7A  }
0x26: {  	[smem:$0x3F99] =	sst s1;
	(tag) =	ssettag s2;
	_ =	strace s9  }
0x27: {  	s1 =	sld [smem:$0x3FA9]  }
0x28: {  	s2 =	sld [smem:$0x3FAA]  }
0x29: {  	s4 =	sld [smem:$0x3FAC]  }
0x2a: {  	p0 =	seq.s32 s5, $0x0;
	s5 =	sld [smem:$0x3FAD]  }
0x2b: {  	s6 =	sld [smem:$0x3FAE]  }
0x2c: {  	s7 =	sld [smem:$0x3FAF]  }
0x2d: {  	s3 =	simm.s32 $0x108;
	s8 =	sld [smem:$0x3FB0]  }
0x2e: {  	s3 =	simm.s32 @!p0 $0x1082;
	s9 =	sld [smem:$0x3FB1]  }
0x2f: {  	lr =	sadd.s32 s0, s3;
	s0 =	sld [smem:$0x3FA8]  }
0x30: {  	s3 =	sld [smem:$0x3FAB]  }
0x31: {  	[smem:$0x3FB4] =	sst s10  }
0x32: {  	s10 =	sld [smem:$0x3FB2];
	_ =	sdelay $0x3  }
0x33: {  	p0 =	seq.s32 s10, $0x1;
	s10 =	sld [smem:$0x3FB4];
	_ =	sdelay $0x3  }
0x34: {  	[smem:$0x3FB4] =	sst s10  }
0x35: {  	s10 =	sld [smem:$0x3FB3];
	_ =	sdelay $0x3  }
0x36: {  	p1 =	seq.s32 s10, $0x1;
	s10 =	sld [smem:$0x3FB4];
	_ =	sdelay $0x3  }
0x37: {  	[smem:$0x3FB4] =	sst s10  }
0x38: {  	s10 =	sld [smem:$0x3FB5]  }
0x39: {  	_ = 	snop;
	(pc) =	sbr.ind lr, $3  }
0x3a: {  	_ = 	snop  }
0x3b: {  	_ = 	snop  }
0x3c: {  	p2 =	seq.s32 s10, $0x1;
	s10 =	sld [smem:$0x3FB4]  }
0x3d: {  	_ =	shalt  }
0x3e: {  	_ =	shalt  }
0x3f: {  	_ =	shalt  }
0x40: {  	_ =	shalt  }
0x41: {  	_ =	shalt  }
0x42: {  	_ =	shalt  }
0x43: {  	_ =	shalt  }
0x44: {  	_ =	shalt  }
0x45: {  	_ =	shalt  }
0x46: {  	_ =	shalt  }
0x47: {  	_ =	shalt  }
0x48: {  	_ =	shalt  }
0x49: {  	_ =	shalt  }
0x4a: {  	_ =	shalt  }
0x4b: {  	_ =	shalt  }
0x4c: {  	_ =	shalt  }
0x4d: {  	_ =	shalt  }
0x4e: {  	_ =	shalt  }
0x4f: {  	_ =	shalt  }
0x50: {  	_ =	shalt  }
0x51: {  	_ =	shalt  }
0x52: {  	_ =	shalt  }
0x53: {  	_ =	shalt  }
0x54: {  	_ =	shalt  }
0x55: {  	_ =	shalt  }
0x56: {  	_ =	shalt  }
0x57: {  	_ =	shalt  }
0x58: {  	_ =	shalt  }
0x59: {  	_ =	shalt  }
0x5a: {  	_ =	shalt  }
0x5b: {  	_ =	shalt  }
0x5c: {  	_ =	shalt  }
0x5d: {  	_ =	shalt  }
0x5e: {  	_ =	shalt  }
0x5f: {  	_ =	shalt  }
0x60: {  	_ =	shalt  }
0x61: {  	_ =	shalt  }
0x62: {  	_ =	shalt  }
0x63: {  	_ =	shalt  }
0x64: {  	_ =	shalt  }
0x65: {  	_ =	shalt  }
0x66: {  	_ =	shalt  }
0x67: {  	_ =	shalt  }
0x68: {  	_ =	shalt  }
0x69: {  	_ =	shalt  }
0x6a: {  	_ =	shalt  }
0x6b: {  	_ =	shalt  }
0x6c: {  	_ =	shalt  }
0x6d: {  	_ =	shalt  }
0x6e: {  	_ =	shalt  }
0x6f: {  	_ =	shalt  }
0x70: {  	_ =	shalt  }
0x71: {  	_ =	shalt  }
0x72: {  	_ =	shalt  }
0x73: {  	_ =	shalt  }
0x74: {  	_ =	shalt  }
0x75: {  	_ =	shalt  }
0x76: {  	_ =	shalt  }
0x77: {  	_ =	shalt  }
0x78: {  	_ =	shalt  }
0x79: {  	_ =	shalt  }
0x7a: {  	_ =	shalt  }
0x7b: {  	_ =	shalt  }
0x7c: {  	_ =	shalt  }
0x7d: {  	_ =	shalt  }
0x7e: {  	_ =	shalt  }
0x7f: {  	_ =	shalt  }
0x80: {  	_ =	shalt  }
0x81: {  	_ =	shalt  }
0x82: {  	_ =	shalt  }
0x83: {  	_ =	shalt  }
0x84: {  	_ =	shalt  }
0x85: {  	_ =	shalt  }
0x86: {  	_ =	shalt  }
0x87: {  	_ =	shalt  }
.Lfunc_end0:
.L_simem_size_0:
called_computation_lowered:
.L_overlay_start_0:
0x88: {  	s2 =	sld [smem:$0x3FD9]  }
0x89: {  	s3 =	sld [smem:$0x3FFE];
	_ =	sdelay $0x1  }
0x8a: {  	s1 =	srdreg.scid  }
0x8b: {  	s0 =	sand.u32 $0x1, s1  }
0x8c: {  	s14 =	sshll.u32 s0, $0xA;
	s2 =	sadd.s32 s3, s2  }
0x8d: {  	s2 =	sadd.s32 s2, s14  }
0x8e: {  	[smem:$0x3FC0] =	sst s2  }
0x8f: {  	_ = 	snop  }
0x90: {  	s2 =	sld [smem:$0x3FD0];
	_ =	sdelay $0x2  }
0x91: {  	s15 =	simm.s32 $0xA;
	s4 =	simm.s32 $0x10  }
0x92: {  	[smem:s4], [sflag:s15] =	dma.local [hbm:s2], $0x1  }
0x93: {  	_ =	swait.eq [sflag:s15], $0x1  }
0x94: {  	[sflag:s15] =	ssyncset.done $0x0  }
0x95: {  	[sflag:s15] =	ssyncadd.s32 $0xFFFFFFFF  }
0x96: {  	s16 =	sld [smem:$0x11];
	(tm) =	ssettm $0x1  }
0x97: {  	s17 =	sld [smem:$0x3FFB];
	_ =	sdelay $0x3  }
0x98: {  	_ =	strace s17  }
0x99: {  	s3 =	sld [smem:$0x3FFC];
	_ =	sdelay $0x3  }
0x9a: {  	_ =	strace s3  }
0x9b: {  	s3 =	sld [smem:$0x3FFD];
	_ =	sdelay $0x3  }
0x9c: {  	_ =	strace s3  }
0x9d: {  	_ =	strace $0x8FFFFFFF  }
0x9e: {  	s18 =	sld [smem:$0x3FDB];
	_ =	sdelay $0x1  }
0x9f: {  	s19 =	simm.s32 $_scs_section_size  }
0xa0: {  	s5 =	simm.s32 $_size__tile_overlayer_lowered;
	s6 =	simm.s32 $_tile_overlayer_lowered  }
0xa1: {  	s22 =	simm.s32 $0x1BFF;
	s21 =	sshll.u32 s6, $0x1;
	s3 =	sadd.s32 s19, s18  }
0xa2: {  	s7 =	simm.s32 $0x0;
	s20 =	sshll.u32 s5, $0x1;
	s5 =	sadd.s32 s21, s3  }
0xa3: {  	[timem:s7], [sflag:s22] =	dma.local [hbm:s5], s20  }
0xa4: {  	_ =	swait.ge [sflag:s22], s20  }
0xa5: {  	s4 =	ssub.s32 $0x0, s20;
	[sflag:s22] =	ssyncset.done $0x0  }
0xa6: {  	[sflag:s22] =	ssyncadd.s32 s4;
	_ =	sdelay $0x1  }
0xa7: {  	s23 =	simm.s32 $0x1B8B  }
0xa8: {  	_ =	swait.ge [sflag:s23], $0x1  }
0xa9: {  	[sflag:s23] =	ssyncset.done $0x0  }
0xaa: {  	s25 =	simm.s32 $0x1B8E;
	s24 =	sld [smem:$0x3FFE];
	[sflag:s23] =	ssyncadd.s32 $0xFFFFFFFF  }
0xab: {  	s26 =	simm.s32 $execute0_lowered;
	[smem:$0x3FD2] =	sst s25  }
0xac: {  	s5 =	sshll.u32 s26, $0x1;
	_ =	strace $0x80000049;
	[dreg:$0x1] =	wrdreg $0xFFFFFFFF  }
0xad: {  	s28 =	simm.s32 $_size_execute0_lowered;
	s3 =	sadd.s32 s3, s5;
	[dreg:$0x0] =	wrdreg $0x0  }
0xae: {  	s5 =	sshll.u32 s28, $0x1;
	[dreg:$0x2] =	wrdreg s3  }
0xaf: {  	[dreg:$0x3] =	wrdreg s5  }
0xb0: {  	[dreg:$0x4] =	wrdreg $0xC0  }
0xb1: {  	_ =	task [dreg:s7], $0x5FFFF  }
0xb2: {  	[dreg:$0x1] =	wrdreg $0xFFFFFFFF  }
0xb3: {  	[dreg:$0x0] =	wrdreg $0x60  }
0xb4: {  	[dreg:$0x2] =	wrdreg s24  }
0xb5: {  	[dreg:$0x3] =	wrdreg s16  }
0xb6: {  	[dreg:$0x4] =	wrdreg $0x9C000  }
0xb7: {  	[dreg:$0x5] =	wrdreg $0x9  }
0xb8: {  	_ =	task.clear_ibuf [dreg:s7], $0x6FFFF;
	_ =	strace $0x90000049  }
0xb9: {  	s29 =	simm.s32 $0x9;
	_ =	strace $0x8000004B  }
0xba: {  	_ =	swait.ge [sflag:s29], $0x1  }
0xbb: {  	[sflag:s29] =	ssyncadd.s32 $0xFFFFFFFF  }
0xbc: {  	_ =	strace $0x9000004B  }
0xbd: {  	_ =	sfence  }
0xbe: {  	s30 =	sld [smem:$0x0];
	_ =	sdelay $0x2  }
0xbf: {  	s31 =	sshll.u32 s1, $0xD;
	s1 =	sshrl.u32 s1, $0x2  }
0xc0: {  	s3 =	sand.u32 $0x4000, s31;
	s1 =	sadd.s32 s1, s30  }
0xc1: {  	s0 =	sor.u32 s3, s0;
	s1 =	sshll.u32 s1, $0x11  }
0xc2: {  	s0 =	sor.u32 s1, s0  }
0xc3: {  	s0 =	sadd.s32 $0x8F2B, s0  }
0xc4: {  	[sflag:s0] =	ssyncadd.remote.s32 $0x1  }
0xc5: {  	_ =	sfence.sel $0xFFFF  }
0xc6: {  	[dreg:$0x0] =	wrdreg $0xFFFFFFFF;
	(pc) =	sbr.abs _section_cstart, $3  }
0xc7: {  	[dreg:$0x1] =	wrdreg $0xFFFFFFFF  }
0xc8: {  	_ =	task.clear_ibuf [dreg:s7], $0x2FFFF;
	_ =	strace $0x9FFFFFFF  }
0xc9: {  	(tm) =	ssettm $0x7FFFFFFF  }
tec
execute0_lowered:
.L_overlay_start_1:
0x0: {  	(tag) =	ssettag $0x1  }
0x1: {  	s0 =	rddreg [dreg:$0x0]  }
0x2: {  	s2 =	rddreg [dreg:$0x2]  }
0x3: {  	s1 =	srdreg.scid;
	s13 =	simm.s32 $0x0;
	s8 =	stileid.u32  }
0x4: {  	s12 =	simm.s32 $0x1;
	s14 =	simm.s32 $0xB;
	s15 =	simm.s32 $0x28  }
0x5: {  	s16 =	simm.s32 $0x3800;
	s18 =	simm.s32 $0x4C00;
	s20 =	simm.s32 $0x6000  }
0x6: {  	s22 =	simm.s32 $0x7400;
	s28 =	simm.s32 $0x4;
	s29 =	simm.s32 $0x5  }
0x7: {  	s30 =	simm.s32 $0x6;
	s31 =	simm.s32 $0x7;
	s9 =	simm.s32 $0x3280  }
0x8: {  	s10 =	simm.s32 $0x3300;
	s11 =	simm.s32 $0x3400;
	s1 =	sand.u32 $0x1, s1  }
0x9: {  	[smem:$0x7FF] =	sst s13;
	s5 =	sadd.s32 $0x1EF200, s0;
	s7 =	smul.u32 $0x4E200, s8  }
0xa: {  	s6 =	sadd.s32 $0x23D400, s0;
	s25 =	sshll.u32 s8, $0x6;
	s3 =	sshll.u32 s1, $0x4  }
0xb: {  	_ =	strace $0x8000004A;
	s1 =	ssub.s32 $0x2, s1;
	s17 =	sor.u32 $0x1C01, s25  }
0xc: {  	s25 =	simm.s32 $0x2;
	s3 =	sor.u32 s8, s3;
	s23 =	sshrl.u32 s1, $0x1  }
0xd: {  	s24 =	sshrl.u32 s7, $0x2;
	s7 =	simm.s32 $0x3380;
	s4 =	smul.u32 $0x2780, s3  }
0xe: {  	[dreg:$0x5] =	wrdreg s17;
	s1 =	ssub.s32 s1, s23;
	s8 =	smul.u32 $0x11800, s3  }
0xf: {  	s23 =	simm.s32 $0x200;
	s3 =	simm.s32 $0x9;
	s26 =	smax.u32 s1, $0x1  }
0x10: {  	s1 =	simm.s32 $0xA;
	s0 =	sadd.s32 s4, s0;
	s4 =	sadd.s32 s24, s2  }
0x11: {  	[dreg:$0x7] =	wrdreg s26;
	s24 =	simm.s32 $0x8800;
	s0 =	sadd.s32 $0x283400, s0  }
0x12: {  	s26 =	simm.s32 $0x3;
	s21 =	sshrl.u32 s4, $0x3;
	[dreg:$0x6] =	wrdreg s0  }
0x13: {  	s4 =	simm.s32 $0x3480;
	s0 =	simm.s32 $0x8;
	[dreg:$0x8] =	wrdreg s21  }
.LBB2_1:
0x14: {  	[dreg:$0x4] =	wrdreg s13  }
0x15: {  	s19 =	rddreg [dreg:$0x1]  }
0x16: {  	[spmem:s21], [sflag:s17] =	dma.local [hbm:s19], $0x2710  }
0x17: {  	_ =	swait.ge [sflag:s12], $0x2710  }
0x18: {  	[sflag:s12] =	ssyncset.done $0x0  }
0x19: {  	[sflag:s12] =	ssyncadd.s32 $0xFFFFD8F0  }
0x1a: {  	s13 =	simm.s32 $0x0;
	[bflag:$0x0] =	sbarrier.arrive $0xFFFF  }
.LBB2_2:
0x1b: {  	s17 =	smul.u32 $0x3800, s13;
	_ =	sdelay $0x1  }
0x1c: {  	s17 =	sadd.s32 s8, s17  }
0x1d: {  	s17 =	sshrl.u32 s17, $0x3  }
0x1e: {  	s19 =	simm.s32 $0x0;
	s17 =	sadd.s32 s6, s17  }
0x1f: {  	[tilespmem:s19], [sflag:$0xB] =	stream.linear.gather [hbm4b:s17+s19], $0x1900, $0x38;
	[tilespmem:$0x1D480] =	vst v63  }
0x20: {  	s21 =	simm.s32 $0x1C00;
	s17 =	sadd.s32 $0x380, s17  }
0x21: {  	[tilespmem:s21], [sflag:$0xB] =	stream.linear.gather [hbm4b:s17+s19], $0x1900, $0x38;
	[tilespmem:$0x1D480] =	vst v63  }
0x22: {  	_ =	swait.ge [sflag:s14], $0x3200  }
0x23: {  	[sflag:s14] =	ssyncset.done $0x0  }
0x24: {  	[sflag:s14] =	ssyncadd.s32 $0xFFFFCE00  }
0x25: {  	[tilespmem:s16], [sflag:$0x1] =	stream.indirect.gather [hbm4b:s5+s15], $0x80, s19, s15, $0xb8;
	[tilespmem:$0x1D480] =	vst v63  }
0x26: {  	s19 =	simm.s32 $0x80  }
0x27: {  	[tilespmem:s18], [sflag:$0x2] =	stream.indirect.gather [hbm4b:s5+s15], $0x80, s19, s15, $0xb8;
	[tilespmem:$0x1D480] =	vst v63  }
0x28: {  	s21 =	simm.s32 $0x100  }
0x29: {  	[tilespmem:s20], [sflag:$0x3] =	stream.indirect.gather [hbm4b:s5+s15], $0x80, s21, s15, $0xb8;
	[tilespmem:$0x1D480] =	vst v63  }
0x2a: {  	s19 =	simm.s32 $0x180  }
0x2b: {  	[tilespmem:s22], [sflag:$0x4] =	stream.indirect.gather [hbm4b:s5+s15], $0x80, s19, s15, $0xb8;
	[tilespmem:$0x1D480] =	vst v63  }
0x2c: {  	_ = 	snop  }
0x2d: {  	[tilespmem:s24], [sflag:$0x5] =	stream.indirect.gather [hbm4b:s5+s15], $0x80, s23, s15, $0xb8;
	[tilespmem:$0x1D480] =	vst v63  }
0x2e: {  	_ =	swait.ge [sflag:s12], $0x1400  }
0x2f: {  	[sflag:s12] =	ssyncset.done $0x0  }
0x30: {  	s21 =	simm.s32 $0x1C00;
	[sflag:s12] =	ssyncadd.s32 $0xFFFFEC00  }
0x31: {  	[spmem:s2] =	stream.indirect.scatter.add.f32 [tilespmem:s16], [sflag:$0x6], $0x80, s21, s15, $0xb8;
	[tilespmem:$0x1D480] =	vst v63  }
0x32: {  	_ =	swait.ge [sflag:s25], $0x1400  }
0x33: {  	[sflag:s25] =	ssyncset.done $0x0  }
0x34: {  	s19 =	simm.s32 $0x1C80;
	[sflag:s25] =	ssyncadd.s32 $0xFFFFEC00  }
0x35: {  	[spmem:s2] =	stream.indirect.scatter.add.f32 [tilespmem:s18], [sflag:$0x7], $0x80, s19, s15, $0xb8;
	[tilespmem:$0x1D480] =	vst v63  }
0x36: {  	_ =	swait.ge [sflag:s26], $0x1400  }
0x37: {  	[sflag:s26] =	ssyncset.done $0x0  }
0x38: {  	s21 =	simm.s32 $0x1D00;
	[sflag:s26] =	ssyncadd.s32 $0xFFFFEC00  }
0x39: {  	[spmem:s2] =	stream.indirect.scatter.add.f32 [tilespmem:s20], [sflag:$0x8], $0x80, s21, s15, $0xb8;
	[tilespmem:$0x1D480] =	vst v63  }
0x3a: {  	_ =	swait.ge [sflag:s28], $0x1400  }
0x3b: {  	[sflag:s28] =	ssyncset.done $0x0  }
0x3c: {  	s19 =	simm.s32 $0x1D80;
	[sflag:s28] =	ssyncadd.s32 $0xFFFFEC00  }
0x3d: {  	[spmem:s2] =	stream.indirect.scatter.add.f32 [tilespmem:s22], [sflag:$0x9], $0x80, s19, s15, $0xb8;
	[tilespmem:$0x1D480] =	vst v63  }
0x3e: {  	_ =	swait.ge [sflag:s29], $0x1400  }
0x3f: {  	[sflag:s29] =	ssyncset.done $0x0  }
0x40: {  	s21 =	simm.s32 $0x1E00;
	[sflag:s29] =	ssyncadd.s32 $0xFFFFEC00  }
0x41: {  	[spmem:s2] =	stream.indirect.scatter.add.f32 [tilespmem:s24], [sflag:$0xA], $0x80, s21, s15, $0xb8;
	[tilespmem:$0x1D480] =	vst v63  }
0x42: {  	_ =	swait.ge [sflag:s30], $0x1400  }
0x43: {  	[sflag:s30] =	ssyncset.done $0x0  }
0x44: {  	s19 =	simm.s32 $0x280;
	[sflag:s30] =	ssyncadd.s32 $0xFFFFEC00  }
0x45: {  	[tilespmem:s16], [sflag:$0x1] =	stream.indirect.gather [hbm4b:s5+s15], $0x80, s19, s15, $0xb8;
	[tilespmem:$0x1D480] =	vst v63  }
0x46: {  	_ =	swait.ge [sflag:s31], $0x1400  }
0x47: {  	[sflag:s31] =	ssyncset.done $0x0  }
0x48: {  	s21 =	simm.s32 $0x300;
	[sflag:s31] =	ssyncadd.s32 $0xFFFFEC00  }
0x49: {  	[tilespmem:s18], [sflag:$0x2] =	stream.indirect.gather [hbm4b:s5+s15], $0x80, s21, s15, $0xb8;
	[tilespmem:$0x1D480] =	vst v63  }
0x4a: {  	_ =	swait.ge [sflag:s0], $0x1400  }
0x4b: {  	[sflag:s0] =	ssyncset.done $0x0  }
0x4c: {  	s19 =	simm.s32 $0x380;
	[sflag:s0] =	ssyncadd.s32 $0xFFFFEC00  }
0x4d: {  	[tilespmem:s20], [sflag:$0x3] =	stream.indirect.gather [hbm4b:s5+s15], $0x80, s19, s15, $0xb8;
	[tilespmem:$0x1D480] =	vst v63  }
0x4e: {  	_ =	swait.ge [sflag:s3], $0x1400  }
0x4f: {  	[sflag:s3] =	ssyncset.done $0x0  }
0x50: {  	s21 =	simm.s32 $0x400;
	[sflag:s3] =	ssyncadd.s32 $0xFFFFEC00  }
0x51: {  	[tilespmem:s22], [sflag:$0x4] =	stream.indirect.gather [hbm4b:s5+s15], $0x80, s21, s15, $0xb8;
	[tilespmem:$0x1D480] =	vst v63  }
0x52: {  	_ =	swait.ge [sflag:s1], $0x1400  }
0x53: {  	[sflag:s1] =	ssyncset.done $0x0  }
0x54: {  	s17 =	simm.s32 $0xA00;
	s19 =	simm.s32 $0x480;
	[sflag:s1] =	ssyncadd.s32 $0xFFFFEC00  }
.LBB2_3:
0x55: {  	[tilespmem:s24], [sflag:$0x5] =	stream.indirect.gather [hbm4b:s5+s15], $0x80, s19, s15, $0xb8;
	[tilespmem:$0x1D480] =	vst v63  }
0x56: {  	s19 =	smov.u32 s17  }
0x57: {  	p0 =	sne.s32 s17, $0x5000;
	s17 =	sadd.s32 $0xA00, s17;
	_ =	swait.ge [sflag:s12], $0x1400  }
0x58: {  	s19 =	sshra.s32 s19, $0x2;
	[sflag:s12] =	ssyncset.done $0x0  }
0x59: {  	s21 =	sadd.s32 $0x1C00, s19;
	[sflag:s12] =	ssyncadd.s32 $0xFFFFEC00  }
0x5a: {  	[spmem:s2] =	stream.indirect.scatter.add.f32 [tilespmem:s16], [sflag:$0x6], $0x80, s21, s15, $0xb8;
	[tilespmem:$0x1D480] =	vst v63  }
0x5b: {  	_ =	swait.ge [sflag:s25], $0x1400  }
0x5c: {  	[sflag:s25] =	ssyncset.done $0x0  }
0x5d: {  	s21 =	sadd.s32 $0x1C80, s19;
	[sflag:s25] =	ssyncadd.s32 $0xFFFFEC00  }
0x5e: {  	[spmem:s2] =	stream.indirect.scatter.add.f32 [tilespmem:s18], [sflag:$0x7], $0x80, s21, s15, $0xb8;
	[tilespmem:$0x1D480] =	vst v63  }
0x5f: {  	_ =	swait.ge [sflag:s26], $0x1400  }
0x60: {  	[sflag:s26] =	ssyncset.done $0x0  }
0x61: {  	s21 =	sadd.s32 $0x1D00, s19;
	[sflag:s26] =	ssyncadd.s32 $0xFFFFEC00  }
0x62: {  	[spmem:s2] =	stream.indirect.scatter.add.f32 [tilespmem:s20], [sflag:$0x8], $0x80, s21, s15, $0xb8;
	[tilespmem:$0x1D480] =	vst v63  }
0x63: {  	_ =	swait.ge [sflag:s28], $0x1400  }
0x64: {  	[sflag:s28] =	ssyncset.done $0x0  }
0x65: {  	s21 =	sadd.s32 $0x1D80, s19;
	[sflag:s28] =	ssyncadd.s32 $0xFFFFEC00  }
0x66: {  	[spmem:s2] =	stream.indirect.scatter.add.f32 [tilespmem:s22], [sflag:$0x9], $0x80, s21, s15, $0xb8;
	[tilespmem:$0x1D480] =	vst v63  }
0x67: {  	_ =	swait.ge [sflag:s29], $0x1400  }
0x68: {  	[sflag:s29] =	ssyncset.done $0x0  }
0x69: {  	s21 =	sadd.s32 $0x1E00, s19;
	[sflag:s29] =	ssyncadd.s32 $0xFFFFEC00  }
0x6a: {  	[spmem:s2] =	stream.indirect.scatter.add.f32 [tilespmem:s24], [sflag:$0xA], $0x80, s21, s15, $0xb8;
	[tilespmem:$0x1D480] =	vst v63  }
0x6b: {  	_ =	swait.ge [sflag:s30], $0x1400  }
0x6c: {  	[sflag:s30] =	ssyncset.done $0x0  }
0x6d: {  	s21 =	sadd.s32 $0x280, s19;
	[sflag:s30] =	ssyncadd.s32 $0xFFFFEC00  }
0x6e: {  	[tilespmem:s16], [sflag:$0x1] =	stream.indirect.gather [hbm4b:s5+s15], $0x80, s21, s15, $0xb8;
	[tilespmem:$0x1D480] =	vst v63  }
0x6f: {  	_ =	swait.ge [sflag:s31], $0x1400  }
0x70: {  	[sflag:s31] =	ssyncset.done $0x0  }
0x71: {  	s21 =	sadd.s32 $0x300, s19;
	[sflag:s31] =	ssyncadd.s32 $0xFFFFEC00  }
0x72: {  	[tilespmem:s18], [sflag:$0x2] =	stream.indirect.gather [hbm4b:s5+s15], $0x80, s21, s15, $0xb8;
	[tilespmem:$0x1D480] =	vst v63  }
0x73: {  	_ =	swait.ge [sflag:s0], $0x1400  }
0x74: {  	[sflag:s0] =	ssyncset.done $0x0  }
0x75: {  	s21 =	sadd.s32 $0x380, s19;
	[sflag:s0] =	ssyncadd.s32 $0xFFFFEC00  }
0x76: {  	[tilespmem:s20], [sflag:$0x3] =	stream.indirect.gather [hbm4b:s5+s15], $0x80, s21, s15, $0xb8;
	[tilespmem:$0x1D480] =	vst v63  }
0x77: {  	_ =	swait.ge [sflag:s3], $0x1400  }
0x78: {  	[sflag:s3] =	ssyncset.done $0x0  }
.Ltmp0:
0x79: {  	s21 =	sadd.s32 $0x400, s19;
	[sflag:s3] =	ssyncadd.s32 $0xFFFFEC00;
	(pc) =	sbr.rel @p0 .LBB2_3-.Ltmp0, $4  }
0x7a: {  	[tilespmem:s22], [sflag:$0x4] =	stream.indirect.gather [hbm4b:s5+s15], $0x80, s21, s15, $0xb8;
	[tilespmem:$0x1D480] =	vst v63  }
0x7b: {  	_ =	swait.ge [sflag:s1], $0x1400  }
0x7c: {  	[sflag:s1] =	ssyncset.done $0x0  }
0x7d: {  	s19 =	sadd.s32 $0x480, s19;
	[sflag:s1] =	ssyncadd.s32 $0xFFFFEC00  }
0x7e: {  	[tilespmem:s24], [sflag:$0x5] =	stream.indirect.gather [hbm4b:s5+s15], $0x80, s19, s15, $0xb8;
	[tilespmem:$0x1D480] =	vst v63  }
0x7f: {  	_ =	swait.ge [sflag:s12], $0x1400  }
0x80: {  	[sflag:s12] =	ssyncset.done $0x0  }
0x81: {  	[sflag:s12] =	ssyncadd.s32 $0xFFFFEC00  }
0x82: {  	[spmem:s2] =	stream.indirect.scatter.add.f32 [tilespmem:s16], [sflag:$0x6], $0x80, s9, s15, $0xb8;
	[tilespmem:$0x1D480] =	vst v63  }
0x83: {  	_ =	swait.ge [sflag:s25], $0x1400  }
0x84: {  	[sflag:s25] =	ssyncset.done $0x0  }
0x85: {  	[sflag:s25] =	ssyncadd.s32 $0xFFFFEC00  }
0x86: {  	[spmem:s2] =	stream.indirect.scatter.add.f32 [tilespmem:s18], [sflag:$0x7], $0x80, s10, s15, $0xb8;
	[tilespmem:$0x1D480] =	vst v63  }
0x87: {  	_ =	swait.ge [sflag:s26], $0x1400  }
0x88: {  	[sflag:s26] =	ssyncset.done $0x0  }
0x89: {  	[sflag:s26] =	ssyncadd.s32 $0xFFFFEC00  }
0x8a: {  	[spmem:s2] =	stream.indirect.scatter.add.f32 [tilespmem:s20], [sflag:$0x8], $0x80, s7, s15, $0xb8;
	[tilespmem:$0x1D480] =	vst v63  }
0x8b: {  	_ =	swait.ge [sflag:s28], $0x1400  }
0x8c: {  	[sflag:s28] =	ssyncset.done $0x0  }
0x8d: {  	[sflag:s28] =	ssyncadd.s32 $0xFFFFEC00  }
0x8e: {  	[spmem:s2] =	stream.indirect.scatter.add.f32 [tilespmem:s22], [sflag:$0x9], $0x80, s11, s15, $0xb8;
	[tilespmem:$0x1D480] =	vst v63  }
0x8f: {  	_ =	swait.ge [sflag:s29], $0x1400  }
0x90: {  	[sflag:s29] =	ssyncset.done $0x0  }
0x91: {  	[sflag:s29] =	ssyncadd.s32 $0xFFFFEC00  }
0x92: {  	[spmem:s2] =	stream.indirect.scatter.add.f32 [tilespmem:s24], [sflag:$0xA], $0x80, s4, s15, $0xb8;
	[tilespmem:$0x1D480] =	vst v63  }
0x93: {  	_ =	swait.ge [sflag:s30], $0x1400  }
0x94: {  	[sflag:s30] =	ssyncset.done $0x0  }
0x95: {  	[sflag:s30] =	ssyncadd.s32 $0xFFFFEC00  }
0x96: {  	_ =	swait.ge [sflag:s31], $0x1400  }
0x97: {  	[sflag:s31] =	ssyncset.done $0x0  }
0x98: {  	[sflag:s31] =	ssyncadd.s32 $0xFFFFEC00  }
0x99: {  	_ =	swait.ge [sflag:s0], $0x1400  }
0x9a: {  	[sflag:s0] =	ssyncset.done $0x0  }
0x9b: {  	s13 =	sadd.s32 $0x1, s13;
	[sflag:s0] =	ssyncadd.s32 $0xFFFFEC00  }
0x9c: {  	p0 =	sne.s32 s13, $0x5;
	_ =	swait.ge [sflag:s3], $0x1400  }
.Ltmp1:
0x9d: {  	[sflag:s3] =	ssyncset.done $0x0;
	(pc) =	sbr.rel @p0 .LBB2_2-.Ltmp1, $4  }
0x9e: {  	[sflag:s3] =	ssyncadd.s32 $0xFFFFEC00  }
0x9f: {  	_ =	swait.ge [sflag:s1], $0x1400  }
0xa0: {  	[sflag:s1] =	ssyncset.done $0x0  }
0xa1: {  	[sflag:s1] =	ssyncadd.s32 $0xFFFFEC00  }
0xa2: {  	[bflag:$0x0] =	sbarrier.arrive $0xFFFF  }
0xa3: {  	s17 =	rddreg [dreg:$0x5]  }
0xa4: {  	s13 =	rddreg [dreg:$0x6]  }
0xa5: {  	s21 =	rddreg [dreg:$0x8]  }
0xa6: {  	[hbm:s13], [sflag:s17] =	dma.local [spmem:s21], $0x2710  }
0xa7: {  	_ =	swait.ge [sflag:s12], $0x2710  }
0xa8: {  	s19 =	rddreg [dreg:$0x4]  }
0xa9: {  	s13 =	sadd.s32 $0x1, s19;
	s19 =	rddreg [dreg:$0x7]  }
0xaa: {  	p0 =	sne.s32 s13, s19  }
.Ltmp2:
0xab: {  	_ = 	snop;
	(pc) =	sbr.rel @p0 .LBB2_1-.Ltmp2, $3  }
0xac: {  	_ =	sdelay $0x1  }
0xad: {  	[sflag:s12] =	ssyncset.done $0x0  }
0xae: {  	[sflag:s12] =	ssyncadd.s32 $0xFFFFD8F0  }
0xaf: {  	_ =	sfence.sel $0x180000  }
0xb0: {  	[bflag:$0x0] =	sbarrier.arrive $0xFFFF  }
0xb1: {  	_ =	strace $0x9000004A  }
0xb2: {  	s0 =	stileid.u32;
	[bflag:$0x2] =	sbarrier.arrive $0xFFFF  }
0xb3: {  	p0 =	sne.s32 s0, $0x0;
	s0 =	rddreg [dreg:$0x3]  }
0xb4: {  	s0 =	sadd.s32 @!p0 $0x100000, s0  }
0xb5: {  	[sflag:s0] =	ssyncadd.tile.s32 @!p0 $0x1;
	_ =	shalt  }
.Lfunc_end2:
_tile_overlayer_lowered:
.L_overlay_start_2:
0xb6: {  	(tag) =	ssettag $0x2  }
0xb7: {  	s0 =	rddreg [dreg:$0x0];
	s2 =	stileid.u32  }
0xb8: {  	s1 =	rddreg [dreg:$0x1];
	p0 =	sne.s32 s2, $0x0  }
0xb9: {  	s3 =	rddreg [dreg:$0x2];
	[bflag:$0x3] =	sbarrier.arrive $0xFFFF;
	s2 =	simm.s32 @!p0 $0x1C01  }
0xba: {  	[timem:s3], [sflag:s2] =	dma.local @!p0 [hbm:s0], s1  }
0xbb: {  	s0 =	simm.s32 @!p0 $0x1  }
0xbc: {  	_ =	swait.ge @!p0 [sflag:s0], s1  }
0xbd: {  	s1 =	ssub.s32 @!p0 $0x0, s1;
	[sflag:s0] =	ssyncset.done @!p0 $0x0  }
0xbe: {  	[sflag:s0] =	ssyncadd.s32 @!p0 s1  }
0xbf: {  	[bflag:$0x3] =	sbarrier.arrive $0xFFFF  }
0xc0: {  	_ =	shalt  }

</sc_bundles>
